<compile_context>
chip_gen: v7x
topology: tpu7x:2x2x1
jax: 0.10.2.dev20260603
libtpu: 0.0.44.dev20260713+nightly
codegen_flags: <defaults>
</compile_context>

<pallas_src>
import functools

import jax
import jax.numpy as jnp
from jax import lax
from jax.experimental import pallas as pl
from jax.experimental.pallas import tpu as pltpu
from jax.experimental.pallas import tpu_sc as plsc

VOCAB = 185859
D = 64
RSSI_DIM = 100
B = 4096
L = 50
NC = 2
NS = 16
NW = NC * NS
BPW = B // NW

_BT = 16384
_NT = (VOCAB + _BT - 1) // _BT
_VPAD = _NT * _BT


def _tprep_body(tt_ref, out_ref):
    xt = jnp.transpose(tt_ref[...], (1, 0))
    out_ref[:, 0:D] = xt


_tprep = pl.pallas_call(
    _tprep_body,
    grid=(_NT,),
    in_specs=[pl.BlockSpec((D, _BT), lambda i: (0, i))],
    out_specs=pl.BlockSpec((_BT, 128), lambda i: (i, 0)),
    out_shape=jax.ShapeDtypeStruct((_VPAD, 128), jnp.float32),
)

_mesh = plsc.VectorSubcoreMesh(core_axis_name="c", subcore_axis_name="s")


@functools.partial(
    pl.kernel,
    out_type=jax.ShapeDtypeStruct((L, D, 2 * B), jnp.float32),
    mesh=_mesh,
    compiler_params=pltpu.CompilerParams(needs_layout_passes=False),
    scratch_types=[
        pltpu.VMEM((L, BPW), jnp.int32),
        pltpu.VMEM((BPW, 128), jnp.float32),
        pltpu.VMEM((BPW, 128), jnp.float32),
        pltpu.VMEM((D, BPW), jnp.float32),
        pltpu.VMEM((D, BPW), jnp.float32),
        pltpu.SemaphoreType.DMA,
        pltpu.SemaphoreType.DMA,
        pltpu.SemaphoreType.DMA,
        pltpu.SemaphoreType.DMA,
    ],
)
def _gather_relu(idx_hbm, table_hbm, out_hbm,
                 idx_v, g0, g1, vb0, vb1, sem0, sem1, semw0, semw1):
    wid = lax.axis_index("s") * NC + lax.axis_index("c")
    b0 = wid * BPW
    pltpu.sync_copy(idx_hbm.at[:, pl.ds(b0, BPW)], idx_v)

    pltpu.async_copy(table_hbm.at[idx_v.at[0]], g0, sem0)
    pltpu.async_copy(table_hbm.at[idx_v.at[1]], g1, sem1)
    row16 = lax.iota(jnp.int32, 16)
    rows_list = [bb * 16 + row16 for bb in range(BPW // 16)]

    def pair_body(lp, carry):
        l0 = 2 * lp
        for half in range(2):
            g = g0 if half == 0 else g1
            sem = sem0 if half == 0 else sem1
            vb = vb0 if half == 0 else vb1
            semw = semw0 if half == 0 else semw1
            pltpu.make_async_copy(table_hbm.at[idx_v.at[0]], g, sem).wait()

            @pl.when(lp > 0)
            def _():
                pltpu.make_async_copy(
                    vb, out_hbm.at[l0 + half, :, pl.ds(b0, BPW)], semw).wait()

            @plsc.parallel_loop(0, D, unroll=4)
            def _(d):
                cols = jnp.zeros((16,), jnp.int32) + d
                for bb in range(BPW // 16):
                    v = plsc.load_gather(g, [rows_list[bb], cols])
                    vb[d, pl.ds(bb * 16, 16)] = jnp.maximum(v, 0.0)

            @pl.when(l0 + half + 2 < L)
            def _():
                pltpu.async_copy(table_hbm.at[idx_v.at[l0 + half + 2]], g, sem)

            pltpu.async_copy(
                vb, out_hbm.at[l0 + half, :, pl.ds(b0, BPW)], semw)
        return carry

    lax.fori_loop(0, L // 2, pair_body, 0)
    pltpu.make_async_copy(vb0, out_hbm.at[0, :, pl.ds(b0, BPW)], semw0).wait()
    pltpu.make_async_copy(vb1, out_hbm.at[1, :, pl.ds(b0, BPW)], semw1).wait()


_BN = 4096
_NBN = B // _BN


def _mm_body(half_ref, w_ref, x_ref, b_ref, out_ref):
    del half_ref
    y = lax.dot_general(w_ref[...], x_ref[0],
                        (((1,), (0,)), ((), ())),
                        preferred_element_type=jnp.float32)
    out_ref[0] = jnp.maximum(y + b_ref[...], 0.0)


_mm = pl.pallas_call(
    _mm_body,
    grid=(L, _NBN),
    in_specs=[
        pl.BlockSpec(memory_space=pl.ANY),
        pl.BlockSpec((D, RSSI_DIM), lambda l, i: (0, 0)),
        pl.BlockSpec((1, RSSI_DIM, _BN), lambda l, i: (l, 0, i)),
        pl.BlockSpec((D, 1), lambda l, i: (0, 0)),
    ],
    out_specs=pl.BlockSpec((1, D, _BN), lambda l, i: (l, 0, _NBN + i)),
    out_shape=jax.ShapeDtypeStruct((L, D, 2 * B), jnp.float32),
    input_output_aliases={0: 0},
)


@jax.jit
def kernel(bssid, rssi, embed_table, W, b):
    table_t = embed_table.T
    idx_t = bssid.T
    rssi_t = rssi.transpose(1, 2, 0)
    table128 = _tprep(table_t)
    half = _gather_relu(idx_t, table128)
    out_t = _mm(half, W, rssi_t, b.reshape(D, 1))
    return out_t.transpose(2, 0, 1)

# --- scband reference (transcript-rebuilt; emitter-appended) ---
"""Pipeline reference for scband-wifi-lstm-1365799600220 (READ-ONLY COPY).

The authoritative reference and input builder live on the scoring server;
editing this copy changes nothing except your own understanding.
"""

import jax, jax.numpy as jnp
import numpy as np

VOCAB = 185859
EMBED_DIM = 64
RSSI_DIM = 100
B = 4096
L = 50


def setup_inputs(seed: int = 0) -> dict:
    key = jax.random.key(seed)
    k1, k2, k3, k4 = jax.random.split(key, 4)
    bssid = jax.random.randint(k1, (B, L), 0, VOCAB, dtype=jnp.int32)
    rssi = jax.random.normal(k2, (B, L, RSSI_DIM), dtype=jnp.float32)
    # learned parameters
    embed_table = jax.random.normal(k3, (VOCAB, EMBED_DIM), dtype=jnp.float32) * 0.02
    W = jax.random.normal(k4, (EMBED_DIM, RSSI_DIM), dtype=jnp.float32) * 0.02  # torch Linear(100 -> 64) weight [out, in]
    b = jnp.zeros((EMBED_DIM,), dtype=jnp.float32)
    return {"bssid": bssid, "rssi": rssi, "embed_table": embed_table, "W": W, "b": b}


def reference(bssid, rssi, embed_table, W, b):
    # bssid = F.relu(self.bssid_embed(bssid))  -> gather + relu
    e = jax.nn.relu(jnp.take(embed_table, bssid, axis=0))  # [B, L, 64]
    # rssi = F.relu(self.layer1(rssi))  -> linear(100 -> 64) + relu
    r = jax.nn.relu(jnp.einsum('bld,od->blo', rssi, W) + b)  # [B, L, 64]
    # x = torch.cat([bssid, rssi], dim=0)
    x = jnp.concatenate([e, r], axis=0)  # [2B, L, 64]
    return x

if __name__ == "__main__":
    import jax
    _d = setup_inputs()
    print(jax.jit(kernel)(*tuple(_d.values())))

</pallas_src>

<mosaic_0001>
#map = affine_map<(d0, d1) -> (0, 0)>
#map1 = affine_map<(d0, d1) -> (0, 0, 0)>
module attributes {stable_mosaic.version = 14 : i64} {
  func.func @_gather_relu(%arg0: i32, %arg1: i32, %arg2: memref<50x4096xi32, #tpu.memory_space<hbm>>, %arg3: memref<196608x128xf32, #tpu.memory_space<hbm>>, %arg4: memref<50x64x8192xf32, #tpu.memory_space<hbm>>, %arg5: memref<50x128xi32, #tpu.memory_space<vmem>>, %arg6: memref<128x128xf32, #tpu.memory_space<vmem>>, %arg7: memref<128x128xf32, #tpu.memory_space<vmem>>, %arg8: memref<64x128xf32, #tpu.memory_space<vmem>>, %arg9: memref<64x128xf32, #tpu.memory_space<vmem>>, %arg10: memref<!tpu.dma_semaphore, #tpu.memory_space<semaphore_mem>>, %arg11: memref<!tpu.dma_semaphore, #tpu.memory_space<semaphore_mem>>, %arg12: memref<!tpu.dma_semaphore, #tpu.memory_space<semaphore_mem>>, %arg13: memref<!tpu.dma_semaphore, #tpu.memory_space<semaphore_mem>>) attributes {dimension_semantics = [#tpu.dimension_semantics<core_parallel>, #tpu.dimension_semantics<subcore_parallel>], iteration_bounds = array<i64: 2, 16>, scalar_prefetch = 0 : i64, scratch_operands = 9 : i64, tpu.core_type = #tpu.core_type<sc_vector_subcore>, window_params = [{transform_indices = #map}, {transform_indices = #map}, {transform_indices = #map1}]} {
    %mul3A = arith.constant 2 : i32
    %mul3A_0 = arith.muli %arg1, %mul3A : i32
    %add3A = arith.addi %mul3A_0, %arg0 : i32
    %mul3A_1 = arith.constant 128 : i32
    %mul3A_2 = arith.muli %add3A, %mul3A_1 : i32
    "tpu.region"() ({
      %run_scoped3A = tpu.sem_alloc : memref<!tpu.dma_semaphore, #tpu.memory_space<semaphore_mem>>
      %dma_start3A_58 = arith.constant 0 : i32
      %dma_start3A_59 = tpu.memref_slice %arg2[%dma_start3A_58, %mul3A_2] : memref<50x4096xi32, #tpu.memory_space<hbm>> -> memref<50x128xi32, #tpu.memory_space<hbm>>
      %dma_start3A_60 = arith.constant 0 : i32
      %dma_start3A_61 = tpu.memref_slice %arg2[%dma_start3A_60, %mul3A_2] : memref<50x4096xi32, #tpu.memory_space<hbm>> -> memref<50x128xi32, #tpu.memory_space<hbm>>
      tpu.enqueue_dma source(%dma_start3A_61 : memref<50x128xi32, #tpu.memory_space<hbm>>) target(%arg5 : memref<50x128xi32, #tpu.memory_space<vmem>>) target_semaphore(%run_scoped3A : memref<!tpu.dma_semaphore, #tpu.memory_space<semaphore_mem>>)
      %dma_wait3A_62 = arith.constant 0 : i32
      %dma_wait3A_63 = tpu.memref_slice %arg2[%dma_wait3A_62, %mul3A_2] : memref<50x4096xi32, #tpu.memory_space<hbm>> -> memref<50x128xi32, #tpu.memory_space<hbm>>
      %dma_wait3A_64 = arith.constant 0 : i32
      %dma_wait3A_65 = tpu.memref_slice %arg2[%dma_wait3A_64, %mul3A_2] : memref<50x4096xi32, #tpu.memory_space<hbm>> -> memref<50x128xi32, #tpu.memory_space<hbm>>
      tpu.wait_dma2 semaphore(%run_scoped3A : memref<!tpu.dma_semaphore, #tpu.memory_space<semaphore_mem>>) src(%dma_wait3A_65 : memref<50x128xi32, #tpu.memory_space<hbm>>) dst(%arg5 : memref<50x128xi32, #tpu.memory_space<vmem>>)
      tpu.yield
    }) : () -> ()
    %dma_start3A = arith.constant 0 : i32
    %dma_start3A_3 = arith.constant 0 : i32
    %dma_start3A_4 = tpu.memref_slice %arg5[%dma_start3A, %dma_start3A_3] : memref<50x128xi32, #tpu.memory_space<vmem>> -> memref<1x128xi32, #tpu.memory_space<vmem>>
    %dma_start3A_5 = tpu.memref_squeeze %dma_start3A_4 : memref<1x128xi32, #tpu.memory_space<vmem>> -> memref<128xi32, #tpu.memory_space<vmem>>
    %dma_start3A_6 = arith.constant 0 : i32
    %dma_start3A_7 = arith.constant 0 : i32
    %dma_start3A_8 = tpu.memref_slice %arg3[%dma_start3A_6, %dma_start3A_7] : memref<196608x128xf32, #tpu.memory_space<hbm>> -> memref<196608x128xf32, #tpu.memory_space<hbm>>
    tpu.enqueue_indirect_dma source(%dma_start3A_8 : memref<196608x128xf32, #tpu.memory_space<hbm>>) target(%arg6 : memref<128x128xf32, #tpu.memory_space<vmem>>) offsets(%dma_start3A_5 : memref<128xi32, #tpu.memory_space<vmem>>) semaphore(%arg10 : memref<!tpu.dma_semaphore, #tpu.memory_space<semaphore_mem>>)
    %dma_start3A_9 = arith.constant 1 : i32
    %dma_start3A_10 = arith.constant 0 : i32
    %dma_start3A_11 = tpu.memref_slice %arg5[%dma_start3A_9, %dma_start3A_10] : memref<50x128xi32, #tpu.memory_space<vmem>> -> memref<1x128xi32, #tpu.memory_space<vmem>>
    %dma_start3A_12 = tpu.memref_squeeze %dma_start3A_11 : memref<1x128xi32, #tpu.memory_space<vmem>> -> memref<128xi32, #tpu.memory_space<vmem>>
    %dma_start3A_13 = arith.constant 0 : i32
    %dma_start3A_14 = arith.constant 0 : i32
    %dma_start3A_15 = tpu.memref_slice %arg3[%dma_start3A_13, %dma_start3A_14] : memref<196608x128xf32, #tpu.memory_space<hbm>> -> memref<196608x128xf32, #tpu.memory_space<hbm>>
    tpu.enqueue_indirect_dma source(%dma_start3A_15 : memref<196608x128xf32, #tpu.memory_space<hbm>>) target(%arg7 : memref<128x128xf32, #tpu.memory_space<vmem>>) offsets(%dma_start3A_12 : memref<128xi32, #tpu.memory_space<vmem>>) semaphore(%arg11 : memref<!tpu.dma_semaphore, #tpu.memory_space<semaphore_mem>>)
    %iota3A = tpu.iota {dimensions = array<i32: 0>} : vector<16xi32>
    %add3A_16 = arith.constant 0 : i32
    %add3A_17 = vector.broadcast %add3A_16 : i32 to vector<16xi32>
    %add3A_18 = arith.addi %add3A_17, %iota3A : vector<16xi32>
    %add3A_19 = arith.constant 16 : i32
    %add3A_20 = vector.broadcast %add3A_19 : i32 to vector<16xi32>
    %add3A_21 = arith.addi %add3A_20, %iota3A : vector<16xi32>
    %add3A_22 = arith.constant 32 : i32
    %add3A_23 = vector.broadcast %add3A_22 : i32 to vector<16xi32>
    %add3A_24 = arith.addi %add3A_23, %iota3A : vector<16xi32>
    %add3A_25 = arith.constant 48 : i32
    %add3A_26 = vector.broadcast %add3A_25 : i32 to vector<16xi32>
    %add3A_27 = arith.addi %add3A_26, %iota3A : vector<16xi32>
    %add3A_28 = arith.constant 64 : i32
    %add3A_29 = vector.broadcast %add3A_28 : i32 to vector<16xi32>
    %add3A_30 = arith.addi %add3A_29, %iota3A : vector<16xi32>
    %add3A_31 = arith.constant 80 : i32
    %add3A_32 = vector.broadcast %add3A_31 : i32 to vector<16xi32>
    %add3A_33 = arith.addi %add3A_32, %iota3A : vector<16xi32>
    %add3A_34 = arith.constant 96 : i32
    %add3A_35 = vector.broadcast %add3A_34 : i32 to vector<16xi32>
    %add3A_36 = arith.addi %add3A_35, %iota3A : vector<16xi32>
    %add3A_37 = arith.constant 112 : i32
    %add3A_38 = vector.broadcast %add3A_37 : i32 to vector<16xi32>
    %add3A_39 = arith.addi %add3A_38, %iota3A : vector<16xi32>
    %scan3A = arith.constant 0 : i32
    %scan3A_40 = arith.constant 0 : i32
    %scan3A_41 = arith.constant 25 : i32
    %scan3A_42 = arith.addi %scan3A_40, %scan3A_41 : i32
    %scan3A_43 = arith.constant 1 : i32
    scf.for %scan3A_58 = %scan3A_40 to %scan3A_42 step %scan3A_43  : i32 {
      %mul3A_59 = arith.constant 2 : i32
      %mul3A_60 = arith.muli %mul3A_59, %scan3A_58 : i32
      %dma_wait3A_61 = arith.constant 0 : i32
      %dma_wait3A_62 = arith.constant 0 : i32
      %dma_wait3A_63 = tpu.memref_slice %arg5[%dma_wait3A_61, %dma_wait3A_62] : memref<50x128xi32, #tpu.memory_space<vmem>> -> memref<1x128xi32, #tpu.memory_space<vmem>>
      %dma_wait3A_64 = tpu.memref_squeeze %dma_wait3A_63 : memref<1x128xi32, #tpu.memory_space<vmem>> -> memref<128xi32, #tpu.memory_space<vmem>>
      %dma_wait3A_65 = arith.constant 0 : i32
      %dma_wait3A_66 = arith.constant 0 : i32
      %dma_wait3A_67 = tpu.memref_slice %arg3[%dma_wait3A_65, %dma_wait3A_66] : memref<196608x128xf32, #tpu.memory_space<hbm>> -> memref<196608x128xf32, #tpu.memory_space<hbm>>
      tpu.wait_indirect_dma semaphore(%arg10 : memref<!tpu.dma_semaphore, #tpu.memory_space<semaphore_mem>>) src(%dma_wait3A_67 : memref<196608x128xf32, #tpu.memory_space<hbm>>) dst(%arg6 : memref<128x128xf32, #tpu.memory_space<vmem>>)
      %gt3A = arith.constant 0 : i32
      %gt3A_68 = arith.cmpi sgt, %scan3A_58, %gt3A : i32
      %convert_element_type3A = arith.extui %gt3A_68 : i1 to i32
      %cond3A = arith.constant 0 : i32
      %cond3A_69 = arith.cmpi ne, %convert_element_type3A, %cond3A : i32
      scf.if %cond3A_69 {
        %add3A_120 = arith.constant 0 : i32
        %add3A_121 = arith.addi %mul3A_60, %add3A_120 : i32
        %dma_wait3A_122 = arith.constant 0 : i32
        %dma_wait3A_123 = tpu.memref_slice %arg4[%add3A_121, %dma_wait3A_122, %mul3A_2] : memref<50x64x8192xf32, #tpu.memory_space<hbm>> -> memref<1x64x128xf32, #tpu.memory_space<hbm>>
        %dma_wait3A_124 = tpu.memref_squeeze %dma_wait3A_123 : memref<1x64x128xf32, #tpu.memory_space<hbm>> -> memref<64x128xf32, #tpu.memory_space<hbm>>
        %dma_wait3A_125 = arith.constant 0 : i32
        %dma_wait3A_126 = tpu.memref_slice %arg4[%add3A_121, %dma_wait3A_125, %mul3A_2] : memref<50x64x8192xf32, #tpu.memory_space<hbm>> -> memref<1x64x128xf32, #tpu.memory_space<hbm>>
        %dma_wait3A_127 = tpu.memref_squeeze %dma_wait3A_126 : memref<1x64x128xf32, #tpu.memory_space<hbm>> -> memref<64x128xf32, #tpu.memory_space<hbm>>
        tpu.wait_dma2 semaphore(%arg12 : memref<!tpu.dma_semaphore, #tpu.memory_space<semaphore_mem>>) src(%arg8 : memref<64x128xf32, #tpu.memory_space<vmem>>) dst(%dma_wait3A_127 : memref<64x128xf32, #tpu.memory_space<hbm>>)
      } else {
      }
      %parallel_loop3A = arith.constant 0 : i32
      %parallel_loop3A_70 = arith.constant 64 : i32
      %parallel_loop3A_71 = arith.constant 1 : i32
      scf.for %parallel_loop3A_120 = %parallel_loop3A to %parallel_loop3A_70 step %parallel_loop3A_71  : i32 {
        %parallel_loop3A_121 = arith.constant 0 : i32
        %parallel_loop3A_122 = vector.broadcast %parallel_loop3A_121 : i32 to vector<16xi32>
        %parallel_loop3A_123 = vector.broadcast %parallel_loop3A_120 : i32 to vector<16xi32>
        %parallel_loop3A_124 = arith.addi %parallel_loop3A_122, %parallel_loop3A_123 : vector<16xi32>
        %parallel_loop3A_125 = tpu.vector_load_idx %arg6[%add3A_18, %parallel_loop3A_124] : memref<128x128xf32, #tpu.memory_space<vmem>>[vector<16xi32>, vector<16xi32>], vector<16xf32>,
        %parallel_loop3A_126 = arith.constant 0.000000e+00 : f32
        %parallel_loop3A_127 = vector.broadcast %parallel_loop3A_126 : f32 to vector<16xf32>
        %parallel_loop3A_128 = arith.maximumf %parallel_loop3A_125, %parallel_loop3A_127 : vector<16xf32>
        %parallel_loop3A_129 = arith.index_cast %parallel_loop3A_120 : i32 to index
        %parallel_loop3A_130 = arith.constant 0 : index
        %parallel_loop3A_131 = tpu.vector_load %arg8[%parallel_loop3A_129, %parallel_loop3A_130] {strides = array<i32>} : memref<64x128xf32, #tpu.memory_space<vmem>>, vector<16xf32>,
        tpu.vector_store %arg8[%parallel_loop3A_129, %parallel_loop3A_130], %parallel_loop3A_128 {strides = array<i32>} : memref<64x128xf32, #tpu.memory_space<vmem>>, vector<16xf32>,
        %parallel_loop3A_132 = tpu.vector_load_idx %arg6[%add3A_21, %parallel_loop3A_124] : memref<128x128xf32, #tpu.memory_space<vmem>>[vector<16xi32>, vector<16xi32>], vector<16xf32>,
        %parallel_loop3A_133 = arith.constant 0.000000e+00 : f32
        %parallel_loop3A_134 = vector.broadcast %parallel_loop3A_133 : f32 to vector<16xf32>
        %parallel_loop3A_135 = arith.maximumf %parallel_loop3A_132, %parallel_loop3A_134 : vector<16xf32>
        %parallel_loop3A_136 = arith.index_cast %parallel_loop3A_120 : i32 to index
        %parallel_loop3A_137 = arith.constant 16 : index
        %parallel_loop3A_138 = tpu.vector_load %arg8[%parallel_loop3A_136, %parallel_loop3A_137] {strides = array<i32>} : memref<64x128xf32, #tpu.memory_space<vmem>>, vector<16xf32>,
        tpu.vector_store %arg8[%parallel_loop3A_136, %parallel_loop3A_137], %parallel_loop3A_135 {strides = array<i32>} : memref<64x128xf32, #tpu.memory_space<vmem>>, vector<16xf32>,
        %parallel_loop3A_139 = tpu.vector_load_idx %arg6[%add3A_24, %parallel_loop3A_124] : memref<128x128xf32, #tpu.memory_space<vmem>>[vector<16xi32>, vector<16xi32>], vector<16xf32>,
        %parallel_loop3A_140 = arith.constant 0.000000e+00 : f32
        %parallel_loop3A_141 = vector.broadcast %parallel_loop3A_140 : f32 to vector<16xf32>
        %parallel_loop3A_142 = arith.maximumf %parallel_loop3A_139, %parallel_loop3A_141 : vector<16xf32>
        %parallel_loop3A_143 = arith.index_cast %parallel_loop3A_120 : i32 to index
        %parallel_loop3A_144 = arith.constant 32 : index
        %parallel_loop3A_145 = tpu.vector_load %arg8[%parallel_loop3A_143, %parallel_loop3A_144] {strides = array<i32>} : memref<64x128xf32, #tpu.memory_space<vmem>>, vector<16xf32>,
        tpu.vector_store %arg8[%parallel_loop3A_143, %parallel_loop3A_144], %parallel_loop3A_142 {strides = array<i32>} : memref<64x128xf32, #tpu.memory_space<vmem>>, vector<16xf32>,
        %parallel_loop3A_146 = tpu.vector_load_idx %arg6[%add3A_27, %parallel_loop3A_124] : memref<128x128xf32, #tpu.memory_space<vmem>>[vector<16xi32>, vector<16xi32>], vector<16xf32>,
        %parallel_loop3A_147 = arith.constant 0.000000e+00 : f32
        %parallel_loop3A_148 = vector.broadcast %parallel_loop3A_147 : f32 to vector<16xf32>
        %parallel_loop3A_149 = arith.maximumf %parallel_loop3A_146, %parallel_loop3A_148 : vector<16xf32>
        %parallel_loop3A_150 = arith.index_cast %parallel_loop3A_120 : i32 to index
        %parallel_loop3A_151 = arith.constant 48 : index
        %parallel_loop3A_152 = tpu.vector_load %arg8[%parallel_loop3A_150, %parallel_loop3A_151] {strides = array<i32>} : memref<64x128xf32, #tpu.memory_space<vmem>>, vector<16xf32>,
        tpu.vector_store %arg8[%parallel_loop3A_150, %parallel_loop3A_151], %parallel_loop3A_149 {strides = array<i32>} : memref<64x128xf32, #tpu.memory_space<vmem>>, vector<16xf32>,
        %parallel_loop3A_153 = tpu.vector_load_idx %arg6[%add3A_30, %parallel_loop3A_124] : memref<128x128xf32, #tpu.memory_space<vmem>>[vector<16xi32>, vector<16xi32>], vector<16xf32>,
        %parallel_loop3A_154 = arith.constant 0.000000e+00 : f32
        %parallel_loop3A_155 = vector.broadcast %parallel_loop3A_154 : f32 to vector<16xf32>
        %parallel_loop3A_156 = arith.maximumf %parallel_loop3A_153, %parallel_loop3A_155 : vector<16xf32>
        %parallel_loop3A_157 = arith.index_cast %parallel_loop3A_120 : i32 to index
        %parallel_loop3A_158 = arith.constant 64 : index
        %parallel_loop3A_159 = tpu.vector_load %arg8[%parallel_loop3A_157, %parallel_loop3A_158] {strides = array<i32>} : memref<64x128xf32, #tpu.memory_space<vmem>>, vector<16xf32>,
        tpu.vector_store %arg8[%parallel_loop3A_157, %parallel_loop3A_158], %parallel_loop3A_156 {strides = array<i32>} : memref<64x128xf32, #tpu.memory_space<vmem>>, vector<16xf32>,
        %parallel_loop3A_160 = tpu.vector_load_idx %arg6[%add3A_33, %parallel_loop3A_124] : memref<128x128xf32, #tpu.memory_space<vmem>>[vector<16xi32>, vector<16xi32>], vector<16xf32>,
        %parallel_loop3A_161 = arith.constant 0.000000e+00 : f32
        %parallel_loop3A_162 = vector.broadcast %parallel_loop3A_161 : f32 to vector<16xf32>
        %parallel_loop3A_163 = arith.maximumf %parallel_loop3A_160, %parallel_loop3A_162 : vector<16xf32>
        %parallel_loop3A_164 = arith.index_cast %parallel_loop3A_120 : i32 to index
        %parallel_loop3A_165 = arith.constant 80 : index
        %parallel_loop3A_166 = tpu.vector_load %arg8[%parallel_loop3A_164, %parallel_loop3A_165] {strides = array<i32>} : memref<64x128xf32, #tpu.memory_space<vmem>>, vector<16xf32>,
        tpu.vector_store %arg8[%parallel_loop3A_164, %parallel_loop3A_165], %parallel_loop3A_163 {strides = array<i32>} : memref<64x128xf32, #tpu.memory_space<vmem>>, vector<16xf32>,
        %parallel_loop3A_167 = tpu.vector_load_idx %arg6[%add3A_36, %parallel_loop3A_124] : memref<128x128xf32, #tpu.memory_space<vmem>>[vector<16xi32>, vector<16xi32>], vector<16xf32>,
        %parallel_loop3A_168 = arith.constant 0.000000e+00 : f32
        %parallel_loop3A_169 = vector.broadcast %parallel_loop3A_168 : f32 to vector<16xf32>
        %parallel_loop3A_170 = arith.maximumf %parallel_loop3A_167, %parallel_loop3A_169 : vector<16xf32>
        %parallel_loop3A_171 = arith.index_cast %parallel_loop3A_120 : i32 to index
        %parallel_loop3A_172 = arith.constant 96 : index
        %parallel_loop3A_173 = tpu.vector_load %arg8[%parallel_loop3A_171, %parallel_loop3A_172] {strides = array<i32>} : memref<64x128xf32, #tpu.memory_space<vmem>>, vector<16xf32>,
        tpu.vector_store %arg8[%parallel_loop3A_171, %parallel_loop3A_172], %parallel_loop3A_170 {strides = array<i32>} : memref<64x128xf32, #tpu.memory_space<vmem>>, vector<16xf32>,
        %parallel_loop3A_174 = tpu.vector_load_idx %arg6[%add3A_39, %parallel_loop3A_124] : memref<128x128xf32, #tpu.memory_space<vmem>>[vector<16xi32>, vector<16xi32>], vector<16xf32>,
        %parallel_loop3A_175 = arith.constant 0.000000e+00 : f32
        %parallel_loop3A_176 = vector.broadcast %parallel_loop3A_175 : f32 to vector<16xf32>
        %parallel_loop3A_177 = arith.maximumf %parallel_loop3A_174, %parallel_loop3A_176 : vector<16xf32>
        %parallel_loop3A_178 = arith.index_cast %parallel_loop3A_120 : i32 to index
        %parallel_loop3A_179 = arith.constant 112 : index
        %parallel_loop3A_180 = tpu.vector_load %arg8[%parallel_loop3A_178, %parallel_loop3A_179] {strides = array<i32>} : memref<64x128xf32, #tpu.memory_space<vmem>>, vector<16xf32>,
        tpu.vector_store %arg8[%parallel_loop3A_178, %parallel_loop3A_179], %parallel_loop3A_177 {strides = array<i32>} : memref<64x128xf32, #tpu.memory_space<vmem>>, vector<16xf32>,
      } {sc.loop_unroll_factor = 4 : i64, sc.parallel_access}
      %add3A_72 = arith.constant 0 : i32
      %add3A_73 = arith.addi %mul3A_60, %add3A_72 : i32
      %add3A_74 = arith.constant 2 : i32
      %add3A_75 = arith.addi %add3A_73, %add3A_74 : i32
      %lt3A = arith.constant 50 : i32
      %lt3A_76 = arith.cmpi slt, %add3A_75, %lt3A : i32
      %convert_element_type3A_77 = arith.extui %lt3A_76 : i1 to i32
      %cond3A_78 = arith.constant 0 : i32
      %cond3A_79 = arith.cmpi ne, %convert_element_type3A_77, %cond3A_78 : i32
      scf.if %cond3A_79 {
        %add3A_120 = arith.constant 0 : i32
        %add3A_121 = arith.addi %mul3A_60, %add3A_120 : i32
        %add3A_122 = arith.constant 2 : i32
        %add3A_123 = arith.addi %add3A_121, %add3A_122 : i32
        %dma_start3A_124 = arith.constant 0 : i32
        %dma_start3A_125 = tpu.memref_slice %arg5[%add3A_123, %dma_start3A_124] : memref<50x128xi32, #tpu.memory_space<vmem>> -> memref<1x128xi32, #tpu.memory_space<vmem>>
        %dma_start3A_126 = tpu.memref_squeeze %dma_start3A_125 : memref<1x128xi32, #tpu.memory_space<vmem>> -> memref<128xi32, #tpu.memory_space<vmem>>
        %dma_start3A_127 = arith.constant 0 : i32
        %dma_start3A_128 = arith.constant 0 : i32
        %dma_start3A_129 = tpu.memref_slice %arg3[%dma_start3A_127, %dma_start3A_128] : memref<196608x128xf32, #tpu.memory_space<hbm>> -> memref<196608x128xf32, #tpu.memory_space<hbm>>
        tpu.enqueue_indirect_dma source(%dma_start3A_129 : memref<196608x128xf32, #tpu.memory_space<hbm>>) target(%arg6 : memref<128x128xf32, #tpu.memory_space<vmem>>) offsets(%dma_start3A_126 : memref<128xi32, #tpu.memory_space<vmem>>) semaphore(%arg10 : memref<!tpu.dma_semaphore, #tpu.memory_space<semaphore_mem>>)
      } else {
      }
      %add3A_80 = arith.constant 0 : i32
      %add3A_81 = arith.addi %mul3A_60, %add3A_80 : i32
      %dma_start3A_82 = arith.constant 0 : i32
      %dma_start3A_83 = tpu.memref_slice %arg4[%add3A_81, %dma_start3A_82, %mul3A_2] : memref<50x64x8192xf32, #tpu.memory_space<hbm>> -> memref<1x64x128xf32, #tpu.memory_space<hbm>>
      %dma_start3A_84 = tpu.memref_squeeze %dma_start3A_83 : memref<1x64x128xf32, #tpu.memory_space<hbm>> -> memref<64x128xf32, #tpu.memory_space<hbm>>
      %dma_start3A_85 = arith.constant 0 : i32
      %dma_start3A_86 = tpu.memref_slice %arg4[%add3A_81, %dma_start3A_85, %mul3A_2] : memref<50x64x8192xf32, #tpu.memory_space<hbm>> -> memref<1x64x128xf32, #tpu.memory_space<hbm>>
      %dma_start3A_87 = tpu.memref_squeeze %dma_start3A_86 : memref<1x64x128xf32, #tpu.memory_space<hbm>> -> memref<64x128xf32, #tpu.memory_space<hbm>>
      tpu.enqueue_dma source(%arg8 : memref<64x128xf32, #tpu.memory_space<vmem>>) target(%dma_start3A_87 : memref<64x128xf32, #tpu.memory_space<hbm>>) target_semaphore(%arg12 : memref<!tpu.dma_semaphore, #tpu.memory_space<semaphore_mem>>)
      %dma_wait3A_88 = arith.constant 0 : i32
      %dma_wait3A_89 = arith.constant 0 : i32
      %dma_wait3A_90 = tpu.memref_slice %arg5[%dma_wait3A_88, %dma_wait3A_89] : memref<50x128xi32, #tpu.memory_space<vmem>> -> memref<1x128xi32, #tpu.memory_space<vmem>>
      %dma_wait3A_91 = tpu.memref_squeeze %dma_wait3A_90 : memref<1x128xi32, #tpu.memory_space<vmem>> -> memref<128xi32, #tpu.memory_space<vmem>>
      %dma_wait3A_92 = arith.constant 0 : i32
      %dma_wait3A_93 = arith.constant 0 : i32
      %dma_wait3A_94 = tpu.memref_slice %arg3[%dma_wait3A_92, %dma_wait3A_93] : memref<196608x128xf32, #tpu.memory_space<hbm>> -> memref<196608x128xf32, #tpu.memory_space<hbm>>
      tpu.wait_indirect_dma semaphore(%arg11 : memref<!tpu.dma_semaphore, #tpu.memory_space<semaphore_mem>>) src(%dma_wait3A_94 : memref<196608x128xf32, #tpu.memory_space<hbm>>) dst(%arg7 : memref<128x128xf32, #tpu.memory_space<vmem>>)
      %gt3A_95 = arith.constant 0 : i32
      %gt3A_96 = arith.cmpi sgt, %scan3A_58, %gt3A_95 : i32
      %convert_element_type3A_97 = arith.extui %gt3A_96 : i1 to i32
      %cond3A_98 = arith.constant 0 : i32
      %cond3A_99 = arith.cmpi ne, %convert_element_type3A_97, %cond3A_98 : i32
      scf.if %cond3A_99 {
        %add3A_120 = arith.constant 1 : i32
        %add3A_121 = arith.addi %mul3A_60, %add3A_120 : i32
        %dma_wait3A_122 = arith.constant 0 : i32
        %dma_wait3A_123 = tpu.memref_slice %arg4[%add3A_121, %dma_wait3A_122, %mul3A_2] : memref<50x64x8192xf32, #tpu.memory_space<hbm>> -> memref<1x64x128xf32, #tpu.memory_space<hbm>>
        %dma_wait3A_124 = tpu.memref_squeeze %dma_wait3A_123 : memref<1x64x128xf32, #tpu.memory_space<hbm>> -> memref<64x128xf32, #tpu.memory_space<hbm>>
        %dma_wait3A_125 = arith.constant 0 : i32
        %dma_wait3A_126 = tpu.memref_slice %arg4[%add3A_121, %dma_wait3A_125, %mul3A_2] : memref<50x64x8192xf32, #tpu.memory_space<hbm>> -> memref<1x64x128xf32, #tpu.memory_space<hbm>>
        %dma_wait3A_127 = tpu.memref_squeeze %dma_wait3A_126 : memref<1x64x128xf32, #tpu.memory_space<hbm>> -> memref<64x128xf32, #tpu.memory_space<hbm>>
        tpu.wait_dma2 semaphore(%arg13 : memref<!tpu.dma_semaphore, #tpu.memory_space<semaphore_mem>>) src(%arg9 : memref<64x128xf32, #tpu.memory_space<vmem>>) dst(%dma_wait3A_127 : memref<64x128xf32, #tpu.memory_space<hbm>>)
      } else {
      }
      %parallel_loop3A_100 = arith.constant 0 : i32
      %parallel_loop3A_101 = arith.constant 64 : i32
      %parallel_loop3A_102 = arith.constant 1 : i32
      scf.for %parallel_loop3A_120 = %parallel_loop3A_100 to %parallel_loop3A_101 step %parallel_loop3A_102  : i32 {
        %parallel_loop3A_121 = arith.constant 0 : i32
        %parallel_loop3A_122 = vector.broadcast %parallel_loop3A_121 : i32 to vector<16xi32>
        %parallel_loop3A_123 = vector.broadcast %parallel_loop3A_120 : i32 to vector<16xi32>
        %parallel_loop3A_124 = arith.addi %parallel_loop3A_122, %parallel_loop3A_123 : vector<16xi32>
        %parallel_loop3A_125 = tpu.vector_load_idx %arg7[%add3A_18, %parallel_loop3A_124] : memref<128x128xf32, #tpu.memory_space<vmem>>[vector<16xi32>, vector<16xi32>], vector<16xf32>,
        %parallel_loop3A_126 = arith.constant 0.000000e+00 : f32
        %parallel_loop3A_127 = vector.broadcast %parallel_loop3A_126 : f32 to vector<16xf32>
        %parallel_loop3A_128 = arith.maximumf %parallel_loop3A_125, %parallel_loop3A_127 : vector<16xf32>
        %parallel_loop3A_129 = arith.index_cast %parallel_loop3A_120 : i32 to index
        %parallel_loop3A_130 = arith.constant 0 : index
        %parallel_loop3A_131 = tpu.vector_load %arg9[%parallel_loop3A_129, %parallel_loop3A_130] {strides = array<i32>} : memref<64x128xf32, #tpu.memory_space<vmem>>, vector<16xf32>,
        tpu.vector_store %arg9[%parallel_loop3A_129, %parallel_loop3A_130], %parallel_loop3A_128 {strides = array<i32>} : memref<64x128xf32, #tpu.memory_space<vmem>>, vector<16xf32>,
        %parallel_loop3A_132 = tpu.vector_load_idx %arg7[%add3A_21, %parallel_loop3A_124] : memref<128x128xf32, #tpu.memory_space<vmem>>[vector<16xi32>, vector<16xi32>], vector<16xf32>,
        %parallel_loop3A_133 = arith.constant 0.000000e+00 : f32
        %parallel_loop3A_134 = vector.broadcast %parallel_loop3A_133 : f32 to vector<16xf32>
        %parallel_loop3A_135 = arith.maximumf %parallel_loop3A_132, %parallel_loop3A_134 : vector<16xf32>
        %parallel_loop3A_136 = arith.index_cast %parallel_loop3A_120 : i32 to index
        %parallel_loop3A_137 = arith.constant 16 : index
        %parallel_loop3A_138 = tpu.vector_load %arg9[%parallel_loop3A_136, %parallel_loop3A_137] {strides = array<i32>} : memref<64x128xf32, #tpu.memory_space<vmem>>, vector<16xf32>,
        tpu.vector_store %arg9[%parallel_loop3A_136, %parallel_loop3A_137], %parallel_loop3A_135 {strides = array<i32>} : memref<64x128xf32, #tpu.memory_space<vmem>>, vector<16xf32>,
        %parallel_loop3A_139 = tpu.vector_load_idx %arg7[%add3A_24, %parallel_loop3A_124] : memref<128x128xf32, #tpu.memory_space<vmem>>[vector<16xi32>, vector<16xi32>], vector<16xf32>,
        %parallel_loop3A_140 = arith.constant 0.000000e+00 : f32
        %parallel_loop3A_141 = vector.broadcast %parallel_loop3A_140 : f32 to vector<16xf32>
        %parallel_loop3A_142 = arith.maximumf %parallel_loop3A_139, %parallel_loop3A_141 : vector<16xf32>
        %parallel_loop3A_143 = arith.index_cast %parallel_loop3A_120 : i32 to index
        %parallel_loop3A_144 = arith.constant 32 : index
        %parallel_loop3A_145 = tpu.vector_load %arg9[%parallel_loop3A_143, %parallel_loop3A_144] {strides = array<i32>} : memref<64x128xf32, #tpu.memory_space<vmem>>, vector<16xf32>,
        tpu.vector_store %arg9[%parallel_loop3A_143, %parallel_loop3A_144], %parallel_loop3A_142 {strides = array<i32>} : memref<64x128xf32, #tpu.memory_space<vmem>>, vector<16xf32>,
        %parallel_loop3A_146 = tpu.vector_load_idx %arg7[%add3A_27, %parallel_loop3A_124] : memref<128x128xf32, #tpu.memory_space<vmem>>[vector<16xi32>, vector<16xi32>], vector<16xf32>,
        %parallel_loop3A_147 = arith.constant 0.000000e+00 : f32
        %parallel_loop3A_148 = vector.broadcast %parallel_loop3A_147 : f32 to vector<16xf32>
        %parallel_loop3A_149 = arith.maximumf %parallel_loop3A_146, %parallel_loop3A_148 : vector<16xf32>
        %parallel_loop3A_150 = arith.index_cast %parallel_loop3A_120 : i32 to index
        %parallel_loop3A_151 = arith.constant 48 : index
        %parallel_loop3A_152 = tpu.vector_load %arg9[%parallel_loop3A_150, %parallel_loop3A_151] {strides = array<i32>} : memref<64x128xf32, #tpu.memory_space<vmem>>, vector<16xf32>,
        tpu.vector_store %arg9[%parallel_loop3A_150, %parallel_loop3A_151], %parallel_loop3A_149 {strides = array<i32>} : memref<64x128xf32, #tpu.memory_space<vmem>>, vector<16xf32>,
        %parallel_loop3A_153 = tpu.vector_load_idx %arg7[%add3A_30, %parallel_loop3A_124] : memref<128x128xf32, #tpu.memory_space<vmem>>[vector<16xi32>, vector<16xi32>], vector<16xf32>,
        %parallel_loop3A_154 = arith.constant 0.000000e+00 : f32
        %parallel_loop3A_155 = vector.broadcast %parallel_loop3A_154 : f32 to vector<16xf32>
        %parallel_loop3A_156 = arith.maximumf %parallel_loop3A_153, %parallel_loop3A_155 : vector<16xf32>
        %parallel_loop3A_157 = arith.index_cast %parallel_loop3A_120 : i32 to index
        %parallel_loop3A_158 = arith.constant 64 : index
        %parallel_loop3A_159 = tpu.vector_load %arg9[%parallel_loop3A_157, %parallel_loop3A_158] {strides = array<i32>} : memref<64x128xf32, #tpu.memory_space<vmem>>, vector<16xf32>,
        tpu.vector_store %arg9[%parallel_loop3A_157, %parallel_loop3A_158], %parallel_loop3A_156 {strides = array<i32>} : memref<64x128xf32, #tpu.memory_space<vmem>>, vector<16xf32>,
        %parallel_loop3A_160 = tpu.vector_load_idx %arg7[%add3A_33, %parallel_loop3A_124] : memref<128x128xf32, #tpu.memory_space<vmem>>[vector<16xi32>, vector<16xi32>], vector<16xf32>,
        %parallel_loop3A_161 = arith.constant 0.000000e+00 : f32
        %parallel_loop3A_162 = vector.broadcast %parallel_loop3A_161 : f32 to vector<16xf32>
        %parallel_loop3A_163 = arith.maximumf %parallel_loop3A_160, %parallel_loop3A_162 : vector<16xf32>
        %parallel_loop3A_164 = arith.index_cast %parallel_loop3A_120 : i32 to index
        %parallel_loop3A_165 = arith.constant 80 : index
        %parallel_loop3A_166 = tpu.vector_load %arg9[%parallel_loop3A_164, %parallel_loop3A_165] {strides = array<i32>} : memref<64x128xf32, #tpu.memory_space<vmem>>, vector<16xf32>,
        tpu.vector_store %arg9[%parallel_loop3A_164, %parallel_loop3A_165], %parallel_loop3A_163 {strides = array<i32>} : memref<64x128xf32, #tpu.memory_space<vmem>>, vector<16xf32>,
        %parallel_loop3A_167 = tpu.vector_load_idx %arg7[%add3A_36, %parallel_loop3A_124] : memref<128x128xf32, #tpu.memory_space<vmem>>[vector<16xi32>, vector<16xi32>], vector<16xf32>,
        %parallel_loop3A_168 = arith.constant 0.000000e+00 : f32
        %parallel_loop3A_169 = vector.broadcast %parallel_loop3A_168 : f32 to vector<16xf32>
        %parallel_loop3A_170 = arith.maximumf %parallel_loop3A_167, %parallel_loop3A_169 : vector<16xf32>
        %parallel_loop3A_171 = arith.index_cast %parallel_loop3A_120 : i32 to index
        %parallel_loop3A_172 = arith.constant 96 : index
        %parallel_loop3A_173 = tpu.vector_load %arg9[%parallel_loop3A_171, %parallel_loop3A_172] {strides = array<i32>} : memref<64x128xf32, #tpu.memory_space<vmem>>, vector<16xf32>,
        tpu.vector_store %arg9[%parallel_loop3A_171, %parallel_loop3A_172], %parallel_loop3A_170 {strides = array<i32>} : memref<64x128xf32, #tpu.memory_space<vmem>>, vector<16xf32>,
        %parallel_loop3A_174 = tpu.vector_load_idx %arg7[%add3A_39, %parallel_loop3A_124] : memref<128x128xf32, #tpu.memory_space<vmem>>[vector<16xi32>, vector<16xi32>], vector<16xf32>,
        %parallel_loop3A_175 = arith.constant 0.000000e+00 : f32
        %parallel_loop3A_176 = vector.broadcast %parallel_loop3A_175 : f32 to vector<16xf32>
        %parallel_loop3A_177 = arith.maximumf %parallel_loop3A_174, %parallel_loop3A_176 : vector<16xf32>
        %parallel_loop3A_178 = arith.index_cast %parallel_loop3A_120 : i32 to index
        %parallel_loop3A_179 = arith.constant 112 : index
        %parallel_loop3A_180 = tpu.vector_load %arg9[%parallel_loop3A_178, %parallel_loop3A_179] {strides = array<i32>} : memref<64x128xf32, #tpu.memory_space<vmem>>, vector<16xf32>,
        tpu.vector_store %arg9[%parallel_loop3A_178, %parallel_loop3A_179], %parallel_loop3A_177 {strides = array<i32>} : memref<64x128xf32, #tpu.memory_space<vmem>>, vector<16xf32>,
      } {sc.loop_unroll_factor = 4 : i64, sc.parallel_access}
      %add3A_103 = arith.constant 1 : i32
      %add3A_104 = arith.addi %mul3A_60, %add3A_103 : i32
      %add3A_105 = arith.constant 2 : i32
      %add3A_106 = arith.addi %add3A_104, %add3A_105 : i32
      %lt3A_107 = arith.constant 50 : i32
      %lt3A_108 = arith.cmpi slt, %add3A_106, %lt3A_107 : i32
      %convert_element_type3A_109 = arith.extui %lt3A_108 : i1 to i32
      %cond3A_110 = arith.constant 0 : i32
      %cond3A_111 = arith.cmpi ne, %convert_element_type3A_109, %cond3A_110 : i32
      scf.if %cond3A_111 {
        %add3A_120 = arith.constant 1 : i32
        %add3A_121 = arith.addi %mul3A_60, %add3A_120 : i32
        %add3A_122 = arith.constant 2 : i32
        %add3A_123 = arith.addi %add3A_121, %add3A_122 : i32
        %dma_start3A_124 = arith.constant 0 : i32
        %dma_start3A_125 = tpu.memref_slice %arg5[%add3A_123, %dma_start3A_124] : memref<50x128xi32, #tpu.memory_space<vmem>> -> memref<1x128xi32, #tpu.memory_space<vmem>>
        %dma_start3A_126 = tpu.memref_squeeze %dma_start3A_125 : memref<1x128xi32, #tpu.memory_space<vmem>> -> memref<128xi32, #tpu.memory_space<vmem>>
        %dma_start3A_127 = arith.constant 0 : i32
        %dma_start3A_128 = arith.constant 0 : i32
        %dma_start3A_129 = tpu.memref_slice %arg3[%dma_start3A_127, %dma_start3A_128] : memref<196608x128xf32, #tpu.memory_space<hbm>> -> memref<196608x128xf32, #tpu.memory_space<hbm>>
        tpu.enqueue_indirect_dma source(%dma_start3A_129 : memref<196608x128xf32, #tpu.memory_space<hbm>>) target(%arg7 : memref<128x128xf32, #tpu.memory_space<vmem>>) offsets(%dma_start3A_126 : memref<128xi32, #tpu.memory_space<vmem>>) semaphore(%arg11 : memref<!tpu.dma_semaphore, #tpu.memory_space<semaphore_mem>>)
      } else {
      }
      %add3A_112 = arith.constant 1 : i32
      %add3A_113 = arith.addi %mul3A_60, %add3A_112 : i32
      %dma_start3A_114 = arith.constant 0 : i32
      %dma_start3A_115 = tpu.memref_slice %arg4[%add3A_113, %dma_start3A_114, %mul3A_2] : memref<50x64x8192xf32, #tpu.memory_space<hbm>> -> memref<1x64x128xf32, #tpu.memory_space<hbm>>
      %dma_start3A_116 = tpu.memref_squeeze %dma_start3A_115 : memref<1x64x128xf32, #tpu.memory_space<hbm>> -> memref<64x128xf32, #tpu.memory_space<hbm>>
      %dma_start3A_117 = arith.constant 0 : i32
      %dma_start3A_118 = tpu.memref_slice %arg4[%add3A_113, %dma_start3A_117, %mul3A_2] : memref<50x64x8192xf32, #tpu.memory_space<hbm>> -> memref<1x64x128xf32, #tpu.memory_space<hbm>>
      %dma_start3A_119 = tpu.memref_squeeze %dma_start3A_118 : memref<1x64x128xf32, #tpu.memory_space<hbm>> -> memref<64x128xf32, #tpu.memory_space<hbm>>
      tpu.enqueue_dma source(%arg9 : memref<64x128xf32, #tpu.memory_space<vmem>>) target(%dma_start3A_119 : memref<64x128xf32, #tpu.memory_space<hbm>>) target_semaphore(%arg13 : memref<!tpu.dma_semaphore, #tpu.memory_space<semaphore_mem>>)
    }
    %scan3A_44 = arith.constant 25 : i32
    %dma_wait3A = arith.constant 0 : i32
    %dma_wait3A_45 = arith.constant 0 : i32
    %dma_wait3A_46 = tpu.memref_slice %arg4[%dma_wait3A, %dma_wait3A_45, %mul3A_2] : memref<50x64x8192xf32, #tpu.memory_space<hbm>> -> memref<1x64x128xf32, #tpu.memory_space<hbm>>
    %dma_wait3A_47 = tpu.memref_squeeze %dma_wait3A_46 : memref<1x64x128xf32, #tpu.memory_space<hbm>> -> memref<64x128xf32, #tpu.memory_space<hbm>>
    %dma_wait3A_48 = arith.constant 0 : i32
    %dma_wait3A_49 = tpu.memref_slice %arg4[%dma_wait3A, %dma_wait3A_48, %mul3A_2] : memref<50x64x8192xf32, #tpu.memory_space<hbm>> -> memref<1x64x128xf32, #tpu.memory_space<hbm>>
    %dma_wait3A_50 = tpu.memref_squeeze %dma_wait3A_49 : memref<1x64x128xf32, #tpu.memory_space<hbm>> -> memref<64x128xf32, #tpu.memory_space<hbm>>
    tpu.wait_dma2 semaphore(%arg12 : memref<!tpu.dma_semaphore, #tpu.memory_space<semaphore_mem>>) src(%arg8 : memref<64x128xf32, #tpu.memory_space<vmem>>) dst(%dma_wait3A_50 : memref<64x128xf32, #tpu.memory_space<hbm>>)
    %dma_wait3A_51 = arith.constant 1 : i32
    %dma_wait3A_52 = arith.constant 0 : i32
    %dma_wait3A_53 = tpu.memref_slice %arg4[%dma_wait3A_51, %dma_wait3A_52, %mul3A_2] : memref<50x64x8192xf32, #tpu.memory_space<hbm>> -> memref<1x64x128xf32, #tpu.memory_space<hbm>>
    %dma_wait3A_54 = tpu.memref_squeeze %dma_wait3A_53 : memref<1x64x128xf32, #tpu.memory_space<hbm>> -> memref<64x128xf32, #tpu.memory_space<hbm>>
    %dma_wait3A_55 = arith.constant 0 : i32
    %dma_wait3A_56 = tpu.memref_slice %arg4[%dma_wait3A_51, %dma_wait3A_55, %mul3A_2] : memref<50x64x8192xf32, #tpu.memory_space<hbm>> -> memref<1x64x128xf32, #tpu.memory_space<hbm>>
    %dma_wait3A_57 = tpu.memref_squeeze %dma_wait3A_56 : memref<1x64x128xf32, #tpu.memory_space<hbm>> -> memref<64x128xf32, #tpu.memory_space<hbm>>
    tpu.wait_dma2 semaphore(%arg13 : memref<!tpu.dma_semaphore, #tpu.memory_space<semaphore_mem>>) src(%arg9 : memref<64x128xf32, #tpu.memory_space<vmem>>) dst(%dma_wait3A_57 : memref<64x128xf32, #tpu.memory_space<hbm>>)
    return
  }
}

module attributes {stable_mosaic.version = 14 : i64} {
  func.func @_tprep_body(%arg0: i32, %arg1: memref<64x16384xf32, #tpu.memory_space<vmem>>, %arg2: memref<16384x128xf32, #tpu.memory_space<vmem>>) attributes {dimension_semantics = [#tpu.dimension_semantics<arbitrary>], iteration_bounds = array<i64: 12>, scalar_prefetch = 0 : i64, scratch_operands = 0 : i64, tpu.core_type = #tpu.core_type<tc>, window_params = [{transform_indices = @transform_0, window_bounds = array<i64: 64, 16384>}, {transform_indices = @transform_1, window_bounds = array<i64: 16384, 128>}]} {
    %get3A = arith.constant 0 : index
    %get3A_0 = arith.constant 0 : index
    %get3A_1 = vector.load %arg1[%get3A, %get3A_0] : memref<64x16384xf32, #tpu.memory_space<vmem>>, vector<64x16384xf32>
    %transpose3A = tpu.transpose %get3A_1, [1, 0] : vector<64x16384xf32> -> vector<16384x64xf32>
    %swap3A = arith.constant 0 : index
    %swap3A_2 = arith.constant 0 : index
    %swap3A_3 = vector.load %arg2[%swap3A, %swap3A_2] : memref<16384x128xf32, #tpu.memory_space<vmem>>, vector<16384x64xf32>
    tpu.vector_store %arg2[%swap3A, %swap3A_2], %transpose3A {strides = array<i32>} : memref<16384x128xf32, #tpu.memory_space<vmem>>, vector<16384x64xf32>,
    return
  }
  func.func @transform_0(%arg0: i32) -> (i32, i32) {
    %c0_i32 = arith.constant 0 : i32
    %c0_i32_0 = arith.constant 0 : i32
    return %c0_i32, %arg0 : i32, i32
  }
  func.func @transform_1(%arg0: i32) -> (i32, i32) {
    %c0_i32 = arith.constant 0 : i32
    %c0_i32_0 = arith.constant 0 : i32
    return %arg0, %c0_i32 : i32, i32
  }
}

module attributes {stable_mosaic.version = 14 : i64} {
  func.func @_mm_body(%arg0: i32, %arg1: i32, %arg2: memref<50x64x8192xf32, #tpu.memory_space<any>>, %arg3: memref<64x100xf32, #tpu.memory_space<vmem>>, %arg4: memref<1x100x4096xf32, #tpu.memory_space<vmem>>, %arg5: memref<64x1xf32, #tpu.memory_space<vmem>>, %arg6: memref<1x64x4096xf32, #tpu.memory_space<vmem>>) attributes {dimension_semantics = [#tpu.dimension_semantics<arbitrary>, #tpu.dimension_semantics<arbitrary>], iteration_bounds = array<i64: 50, 1>, scalar_prefetch = 0 : i64, scratch_operands = 0 : i64, tpu.core_type = #tpu.core_type<tc>, window_params = [{}, {pipeline_mode = #tpu.pipeline_mode<synchronous>, transform_indices = @transform_1, window_bounds = array<i64: 64, 100>}, {transform_indices = @transform_2, window_bounds = array<i64: 1, 100, 4096>}, {pipeline_mode = #tpu.pipeline_mode<synchronous>, transform_indices = @transform_3, window_bounds = array<i64: 64, 1>}, {transform_indices = @transform_4, window_bounds = array<i64: 1, 64, 4096>}]} {
    %get3A = arith.constant 0 : index
    %get3A_0 = arith.constant 0 : index
    %get3A_1 = vector.load %arg3[%get3A, %get3A_0] : memref<64x100xf32, #tpu.memory_space<vmem>>, vector<64x100xf32>
    %get3A_2 = arith.constant 0 : index
    %get3A_3 = arith.constant 0 : index
    %get3A_4 = arith.constant 0 : index
    %get3A_5 = vector.load %arg4[%get3A_2, %get3A_3, %get3A_4] : memref<1x100x4096xf32, #tpu.memory_space<vmem>>, vector<1x100x4096xf32>
    %get3A_6 = vector.shape_cast %get3A_5 : vector<1x100x4096xf32> to vector<100x4096xf32>
    %dot_general3A = arith.constant dense<0.000000e+00> : vector<64x4096xf32>
    %dot_general3A_7 = tpu.matmul %get3A_1, %get3A_6, %dot_general3A {dimension_numbers = #tpu.dot_dimension_numbers<[1], [0], [0], [1], [0, 0, 1, 1], [], []>, transpose_lhs_hint = false} : vector<64x100xf32>, vector<100x4096xf32>, vector<64x4096xf32> -> vector<64x4096xf32>
    %get3A_8 = arith.constant 0 : index
    %get3A_9 = arith.constant 0 : index
    %get3A_10 = vector.load %arg5[%get3A_8, %get3A_9] : memref<64x1xf32, #tpu.memory_space<vmem>>, vector<64x1xf32>
    %add3A = vector.broadcast %get3A_10 : vector<64x1xf32> to vector<64x4096xf32>
    %add3A_11 = arith.addf %dot_general3A_7, %add3A : vector<64x4096xf32>
    %max3A = arith.constant 0.000000e+00 : f32
    %max3A_12 = vector.broadcast %max3A : f32 to vector<64x4096xf32>
    %max3A_13 = arith.maximumf %add3A_11, %max3A_12 : vector<64x4096xf32>
    %swap3A = arith.constant 0 : index
    %swap3A_14 = arith.constant 0 : index
    %swap3A_15 = arith.constant 0 : index
    %swap3A_16 = vector.load %arg6[%swap3A, %swap3A_14, %swap3A_15] : memref<1x64x4096xf32, #tpu.memory_space<vmem>>, vector<1x64x4096xf32>
    %swap3A_17 = vector.shape_cast %swap3A_16 : vector<1x64x4096xf32> to vector<64x4096xf32>
    %swap3A_18 = vector.shape_cast %max3A_13 : vector<64x4096xf32> to vector<1x64x4096xf32>
    tpu.vector_store %arg6[%swap3A, %swap3A_14, %swap3A_15], %swap3A_18 {strides = array<i32>} : memref<1x64x4096xf32, #tpu.memory_space<vmem>>, vector<1x64x4096xf32>,
    return
  }
  func.func @transform_1(%arg0: i32, %arg1: i32) -> (i32, i32) {
    %c0_i32 = arith.constant 0 : i32
    %c0_i32_0 = arith.constant 0 : i32
    %c0_i32_1 = arith.constant 0 : i32
    return %c0_i32, %c0_i32_0 : i32, i32
  }
  func.func @transform_2(%arg0: i32, %arg1: i32) -> (i32, i32, i32) {
    %c0_i32 = arith.constant 0 : i32
    %c0_i32_0 = arith.constant 0 : i32
    return %arg0, %c0_i32, %arg1 : i32, i32, i32
  }
  func.func @transform_3(%arg0: i32, %arg1: i32) -> (i32, i32) {
    %c0_i32 = arith.constant 0 : i32
    %c0_i32_0 = arith.constant 0 : i32
    %c0_i32_1 = arith.constant 0 : i32
    return %c0_i32, %c0_i32_0 : i32, i32
  }
  func.func @transform_4(%arg0: i32, %arg1: i32) -> (i32, i32, i32) {
    %add3A = arith.constant 1 : i32
    %add3A_0 = arith.addi %add3A, %arg1 : i32
    %c0_i32 = arith.constant 0 : i32
    %c0_i32_1 = arith.constant 0 : i32
    return %arg0, %c0_i32, %add3A_0 : i32, i32, i32
  }
}

</mosaic_0001>

<sc_bundles>
// kernel: kernel.5.cloned.1.call-start
scs
__scs_entry_jumppad:
0x0: {  	(pc) =	sbr.rel $0x88, $3  }
0x1: {  	(tag) =	ssettag $0x0;
	lr =	simm.s32 $0x1  }
0x2: {  	[smem:$0x3F9C] =	sst lr;
	_ =	strace $0xD0000000  }
0x3: {  	_ = 	snop  }
0x4: {  	_ = 	snop  }
0x5: {  	_ = 	snop  }
0x6: {  	_ = 	snop  }
0x7: {  	_ = 	snop  }
__scs_overlays_trampoline_lowered:
0x8: {  	[smem:$0x3FAB] =	sst s0  }
0x9: {  	[smem:$0x3FAC] =	sst s1  }
0xa: {  	[smem:$0x3FAD] =	sst s2  }
0xb: {  	[smem:$0x3FAE] =	sst s3  }
0xc: {  	[smem:$0x3FAF] =	sst s4  }
0xd: {  	[smem:$0x3FB0] =	sst s5  }
0xe: {  	[smem:$0x3FB1] =	sst s6  }
0xf: {  	[smem:$0x3FB2] =	sst s7  }
0x10: {  	[smem:$0x3FB3] =	sst s8  }
0x11: {  	[smem:$0x3FB4] =	sst s9;
	s0 =	simm.s32 @!p0 $0x0  }
0x12: {  	s1 =	sld [smem:$0x3F9A];
	s0 =	simm.s32 @p0 $0x1  }
0x13: {  	[smem:$0x3FB5] =	sst s0;
	s0 =	simm.s32 @!p1 $0x0  }
0x14: {  	s2 =	sld [smem:$0x3F99];
	s0 =	simm.s32 @p1 $0x1  }
0x15: {  	[smem:$0x3FB6] =	sst s0;
	s0 =	simm.s32 @!p2 $0x0  }
0x16: {  	s3 =	sld [smem:$0x3FDB];
	s0 =	simm.s32 @p2 $0x1  }
0x17: {  	s4 =	simm.s32 $0x1BF5;
	[smem:$0x3FB8] =	sst s0  }
0x18: {  	s0 =	sld [smem:$0x3F9B];
	_ =	swait.ge [sflag:s4], $0x0  }
0x19: {  	s7 =	sld [smem:$0x3F9C]  }
0x1a: {  	s8 =	sadd.s32 $0xFFFFE003, lr  }
0x1b: {  	s9 =	sadd.s32 $0xFFFFFEF7, lr;
	s5 =	simm.s32 $0xFFFFFFFF;
	p2 =	slt.u32 s8, $0xFFFFF086  }
0x1c: {  	p1 =	slt.u32 s9, $0xF7A;
	s5 =	simm.s32 @!p2 $0x0  }
0x1d: {  	s5 =	simm.s32 @p1 $0x1;
	p0 =	seq.s32 s7, s2  }
0x1e: {  	s7 =	smul.u32 @!p0 $0xF7A, s2;
	p2 =	seq.s32 @!p0 s5, $0x0  }
0x1f: {  	s9 =	smul.u32 $0xF7A, s1;
	s8 =	simm.s32 @!p0 $0x1BF5;
	p2 =	por !p2, p0  }
0x20: {  	[sflag:s8] =	ssyncset.s32 @!p0 $0xFFFFF086;
	s6 =	sadd.s32 @!p0 s3, s7;
	s7 =	simm.s32 @!p0 $0x108  }
0x21: {  	s3 =	sadd.s32 s3, s9;
	s6 =	sadd.s32 @!p0 $0x88, s6;
	s7 =	simm.s32 @p2 $0x1082  }
0x22: {  	[simem:s7], [sflag:s8] =	dma.local @!p0 [hbm:s6], $0xF7A  }
0x23: {  	s9 =	sor.u32 $0xD0000000, s2;
	s6 =	simm.s32 $0x108;
	_ =	swait.ge @!p0 [sflag:s8], $0x0  }
0x24: {  	s3 =	sadd.s32 $0x88, s3;
	s6 =	simm.s32 @!p1 $0x1082;
	[sflag:s4] =	ssyncset.s32 $0xFFFFF086  }
0x25: {  	[simem:s6], [sflag:s4] =	dma.local [hbm:s3], $0xF7A  }
0x26: {  	[smem:$0x3F9C] =	sst s1;
	(tag) =	ssettag s2;
	_ =	strace s9  }
0x27: {  	s1 =	sld [smem:$0x3FAC]  }
0x28: {  	s2 =	sld [smem:$0x3FAD]  }
0x29: {  	s4 =	sld [smem:$0x3FAF]  }
0x2a: {  	p0 =	seq.s32 s5, $0x0;
	s5 =	sld [smem:$0x3FB0]  }
0x2b: {  	s6 =	sld [smem:$0x3FB1]  }
0x2c: {  	s7 =	sld [smem:$0x3FB2]  }
0x2d: {  	s3 =	simm.s32 $0x108;
	s8 =	sld [smem:$0x3FB3]  }
0x2e: {  	s3 =	simm.s32 @!p0 $0x1082;
	s9 =	sld [smem:$0x3FB4]  }
0x2f: {  	lr =	sadd.s32 s0, s3;
	s0 =	sld [smem:$0x3FAB]  }
0x30: {  	s3 =	sld [smem:$0x3FAE]  }
0x31: {  	[smem:$0x3FB7] =	sst s10  }
0x32: {  	s10 =	sld [smem:$0x3FB5];
	_ =	sdelay $0x3  }
0x33: {  	p0 =	seq.s32 s10, $0x1;
	s10 =	sld [smem:$0x3FB7];
	_ =	sdelay $0x3  }
0x34: {  	[smem:$0x3FB7] =	sst s10  }
0x35: {  	s10 =	sld [smem:$0x3FB6];
	_ =	sdelay $0x3  }
0x36: {  	p1 =	seq.s32 s10, $0x1;
	s10 =	sld [smem:$0x3FB7];
	_ =	sdelay $0x3  }
0x37: {  	[smem:$0x3FB7] =	sst s10  }
0x38: {  	s10 =	sld [smem:$0x3FB8]  }
0x39: {  	_ = 	snop;
	(pc) =	sbr.ind lr, $3  }
0x3a: {  	_ = 	snop  }
0x3b: {  	_ = 	snop  }
0x3c: {  	p2 =	seq.s32 s10, $0x1;
	s10 =	sld [smem:$0x3FB7]  }
0x3d: {  	_ =	shalt  }
0x3e: {  	_ =	shalt  }
0x3f: {  	_ =	shalt  }
0x40: {  	_ =	shalt  }
0x41: {  	_ =	shalt  }
0x42: {  	_ =	shalt  }
0x43: {  	_ =	shalt  }
0x44: {  	_ =	shalt  }
0x45: {  	_ =	shalt  }
0x46: {  	_ =	shalt  }
0x47: {  	_ =	shalt  }
0x48: {  	_ =	shalt  }
0x49: {  	_ =	shalt  }
0x4a: {  	_ =	shalt  }
0x4b: {  	_ =	shalt  }
0x4c: {  	_ =	shalt  }
0x4d: {  	_ =	shalt  }
0x4e: {  	_ =	shalt  }
0x4f: {  	_ =	shalt  }
0x50: {  	_ =	shalt  }
0x51: {  	_ =	shalt  }
0x52: {  	_ =	shalt  }
0x53: {  	_ =	shalt  }
0x54: {  	_ =	shalt  }
0x55: {  	_ =	shalt  }
0x56: {  	_ =	shalt  }
0x57: {  	_ =	shalt  }
0x58: {  	_ =	shalt  }
0x59: {  	_ =	shalt  }
0x5a: {  	_ =	shalt  }
0x5b: {  	_ =	shalt  }
0x5c: {  	_ =	shalt  }
0x5d: {  	_ =	shalt  }
0x5e: {  	_ =	shalt  }
0x5f: {  	_ =	shalt  }
0x60: {  	_ =	shalt  }
0x61: {  	_ =	shalt  }
0x62: {  	_ =	shalt  }
0x63: {  	_ =	shalt  }
0x64: {  	_ =	shalt  }
0x65: {  	_ =	shalt  }
0x66: {  	_ =	shalt  }
0x67: {  	_ =	shalt  }
0x68: {  	_ =	shalt  }
0x69: {  	_ =	shalt  }
0x6a: {  	_ =	shalt  }
0x6b: {  	_ =	shalt  }
0x6c: {  	_ =	shalt  }
0x6d: {  	_ =	shalt  }
0x6e: {  	_ =	shalt  }
0x6f: {  	_ =	shalt  }
0x70: {  	_ =	shalt  }
0x71: {  	_ =	shalt  }
0x72: {  	_ =	shalt  }
0x73: {  	_ =	shalt  }
0x74: {  	_ =	shalt  }
0x75: {  	_ =	shalt  }
0x76: {  	_ =	shalt  }
0x77: {  	_ =	shalt  }
0x78: {  	_ =	shalt  }
0x79: {  	_ =	shalt  }
0x7a: {  	_ =	shalt  }
0x7b: {  	_ =	shalt  }
0x7c: {  	_ =	shalt  }
0x7d: {  	_ =	shalt  }
0x7e: {  	_ =	shalt  }
0x7f: {  	_ =	shalt  }
0x80: {  	_ =	shalt  }
0x81: {  	_ =	shalt  }
0x82: {  	_ =	shalt  }
0x83: {  	_ =	shalt  }
0x84: {  	_ =	shalt  }
0x85: {  	_ =	shalt  }
0x86: {  	_ =	shalt  }
0x87: {  	_ =	shalt  }
.Lfunc_end0:
.L_simem_size_0:
called_computation_lowered:
.L_overlay_start_0:
0x88: {  	s2 =	sld [smem:$0x3FD9]  }
0x89: {  	s3 =	sld [smem:$0x3FFE];
	_ =	sdelay $0x1  }
0x8a: {  	s1 =	srdreg.scid  }
0x8b: {  	s0 =	sand.u32 $0x1, s1  }
0x8c: {  	s17 =	sshll.u32 s0, $0xA;
	s2 =	sadd.s32 s3, s2  }
0x8d: {  	s2 =	sadd.s32 s2, s17  }
0x8e: {  	[smem:$0x3FC3] =	sst s2  }
0x8f: {  	_ = 	snop  }
0x90: {  	s2 =	sld [smem:$0x3FC9]  }
0x91: {  	s18 =	sld [smem:$0x3FD0];
	(tm) =	ssettm $0x1  }
0x92: {  	s4 =	sld [smem:$0x3FFB];
	_ =	sdelay $0x3  }
0x93: {  	_ =	strace s4  }
0x94: {  	s4 =	sld [smem:$0x3FFC];
	_ =	sdelay $0x3  }
0x95: {  	_ =	strace s4  }
0x96: {  	s4 =	sld [smem:$0x3FFD];
	_ =	sdelay $0x3  }
0x97: {  	_ =	strace s4  }
0x98: {  	_ =	strace $0x8FFFFFFF  }
0x99: {  	s19 =	sld [smem:$0x3FDB];
	_ =	sdelay $0x1  }
0x9a: {  	s5 =	simm.s32 $_scs_section_size  }
0x9b: {  	s6 =	simm.s32 $_size__tile_overlayer_lowered;
	s7 =	simm.s32 $_tile_overlayer_lowered  }
0x9c: {  	s22 =	simm.s32 $0x1BFF;
	s21 =	sshll.u32 s7, $0x1;
	s4 =	sadd.s32 s5, s19  }
0x9d: {  	s8 =	simm.s32 $0x0;
	s20 =	sshll.u32 s6, $0x1;
	s6 =	sadd.s32 s21, s4  }
0x9e: {  	[timem:s8], [sflag:s22] =	dma.local [hbm:s6], s20  }
0x9f: {  	_ =	swait.ge [sflag:s22], s20  }
0xa0: {  	s5 =	ssub.s32 $0x0, s20;
	[sflag:s22] =	ssyncset.done $0x0  }
0xa1: {  	[sflag:s22] =	ssyncadd.s32 s5;
	_ =	sdelay $0x1  }
0xa2: {  	s23 =	simm.s32 $0x1B8B  }
0xa3: {  	_ =	swait.ge [sflag:s23], $0x1  }
0xa4: {  	[sflag:s23] =	ssyncset.done $0x0  }
0xa5: {  	s25 =	simm.s32 $0x1B8E;
	s24 =	sld [smem:$0x3FFE];
	[sflag:s23] =	ssyncadd.s32 $0xFFFFFFFF  }
0xa6: {  	s26 =	simm.s32 $execute0_lowered;
	[smem:$0x3FD2] =	sst s25  }
0xa7: {  	s6 =	sshll.u32 s26, $0x1;
	_ =	strace $0x80000046;
	[dreg:$0x1] =	wrdreg $0xFFFFFFFF  }
0xa8: {  	s28 =	simm.s32 $_size_execute0_lowered;
	s4 =	sadd.s32 s4, s6;
	[dreg:$0x0] =	wrdreg $0x0  }
0xa9: {  	s6 =	sshll.u32 s28, $0x1;
	[dreg:$0x2] =	wrdreg s4  }
0xaa: {  	[dreg:$0x3] =	wrdreg s6  }
0xab: {  	[dreg:$0x4] =	wrdreg $0xC0  }
0xac: {  	_ =	task [dreg:s8], $0x5FFFF  }
0xad: {  	[dreg:$0x1] =	wrdreg $0xFFFFFFFF  }
0xae: {  	[dreg:$0x0] =	wrdreg $0x60  }
0xaf: {  	[dreg:$0x2] =	wrdreg s2  }
0xb0: {  	[dreg:$0x3] =	wrdreg s24  }
0xb1: {  	[dreg:$0x4] =	wrdreg s18  }
0xb2: {  	[dreg:$0x5] =	wrdreg $0x9  }
0xb3: {  	_ =	task.clear_ibuf [dreg:s8], $0x6FFFF;
	_ =	strace $0x90000046  }
0xb4: {  	s29 =	simm.s32 $0x9;
	_ =	strace $0x80000048  }
0xb5: {  	_ =	swait.ge [sflag:s29], $0x1  }
0xb6: {  	[sflag:s29] =	ssyncadd.s32 $0xFFFFFFFF  }
0xb7: {  	_ =	strace $0x90000048  }
0xb8: {  	_ =	sfence  }
0xb9: {  	s30 =	sld [smem:$0x0];
	_ =	sdelay $0x2  }
0xba: {  	s31 =	sshll.u32 s1, $0xD;
	s1 =	sshrl.u32 s1, $0x2  }
0xbb: {  	s3 =	sand.u32 $0x4000, s31;
	s1 =	sadd.s32 s1, s30  }
0xbc: {  	s0 =	sor.u32 s3, s0;
	s1 =	sshll.u32 s1, $0x11  }
0xbd: {  	s0 =	sor.u32 s1, s0  }
0xbe: {  	s0 =	sadd.s32 $0x8F2B, s0  }
0xbf: {  	[sflag:s0] =	ssyncadd.remote.s32 $0x1  }
0xc0: {  	_ =	sfence.sel $0xFFFF  }
0xc1: {  	[dreg:$0x0] =	wrdreg $0xFFFFFFFF;
	(pc) =	sbr.abs _section_cstart, $3  }
0xc2: {  	[dreg:$0x1] =	wrdreg $0xFFFFFFFF  }
0xc3: {  	_ =	task.clear_ibuf [dreg:s8], $0x2FFFF;
	_ =	strace $0x9FFFFFFF  }
0xc4: {  	(tm) =	ssettm $0x7FFFFFFF  }
0xc5: {  	_ =	shalt  }
tec
execute0_lowered:
.L_overlay_start_1:
0x0: {  	(tag) =	ssettag $0x1  }
0x1: {  	s0 =	rddreg [dreg:$0x0]  }
0x2: {  	s5 =	rddreg [dreg:$0x1]  }
0x3: {  	s2 =	rddreg [dreg:$0x2]  }
0x4: {  	s3 =	srdreg.scid;
	s1 =	stileid.u32  }
0x5: {  	s10 =	simm.s32 $0x400;
	s12 =	simm.s32 $0x1800;
	s13 =	simm.s32 $0x5  }
0x6: {  	s14 =	simm.s32 $0x80;
	s15 =	simm.s32 $0x1C00;
	s16 =	simm.s32 $0x5C00  }
0x7: {  	s17 =	simm.s32 $0x1;
	s18 =	simm.s32 $0x10000;
	s19 =	simm.s32 $0x9C00  }
0x8: {  	s20 =	simm.s32 $0x2;
	s21 =	simm.s32 $0xBC00;
	s22 =	simm.s32 $0x3  }
0x9: {  	v0 =	vlaneseq.u32;
	s23 =	simm.s32 $0x4;
	s24 =	simm.s32 $0x0;
	s4 =	sand.u32 $0x1, s3  }
0xa: {  	s3 =	simm.s32 $0x0;
	s6 =	sshll.u32 s1, $0xB;
	v0 =	vmul.u32 $0x80, v0;
	s7 =	sshll.u32 s4, $0xA  }
0xb: {  	s5 =	sadd.s32 $0x800, s5;
	s8 =	ssub.s32 $0x2, s4;
	s4 =	sor.u32 s7, s6  }
0xc: {  	[smem:$0x7FF] =	sst s3;
	s31 =	sshrl.u32 s8, $0x1;
	v1 =	vor.u32 $0x800, v0;
	s7 =	sshrl.u32 s4, $0x3  }
0xd: {  	_ =	strace $0x80000047;
	v2 =	vor.u32 $0x1000, v0;
	v3 =	vor.u32 $0x1800, v0;
	v4 =	vor.u32 $0x2000, v0;
	s9 =	ssub.s32 s8, s31;
	s6 =	sadd.s32 s0, s7  }
0xe: {  	v5 =	vor.u32 $0x2800, v0;
	v6 =	vor.u32 $0x3000, v0;
	v7 =	vor.u32 $0x3800, v0;
	s8 =	sadd.s32 $0x10000, s2;
	s9 =	smax.u32 s9, $0x1;
	s7 =	sadd.s32 $0x6000, s6  }
.LBB2_1:
0xf: {  	s0 =	simm.s32 $0x8000  }
0x10: {  	[tilespmem:s3], [sflag:$0x5] =	stream.strided.gather [hbm4b:s6+s10], $0x1800, s0, s10, $0x38;
	[tilespmem:$0xDC00] =	vst v63  }
0x11: {  	_ = 	snop  }
0x12: {  	[tilespmem:s12], [sflag:$0x5] =	stream.linear.gather [hbm4b:s7+s3], $0x100, $0x38;
	[tilespmem:$0xDC00] =	vst v63  }
0x13: {  	_ =	swait.ge [sflag:s13], $0x1900  }
0x14: {  	[sflag:s13] =	ssyncset.done $0x0  }
0x15: {  	[sflag:s13] =	ssyncadd.s32 $0xFFFFE700  }
0x16: {  	[tilespmem:s15], [sflag:$0x1] =	stream.indirect.gather [hbm4b:s5+s14], $0x80, s3, s14, $0xb8;
	[tilespmem:$0xDC00] =	vst v63  }
0x17: {  	s25 =	simm.s32 $0x0  }
0x18: {  	[tilespmem:s16], [sflag:$0x2] =	stream.indirect.gather [hbm4b:s5+s14], $0x80, s14, s14, $0xb8;
	[tilespmem:$0xDC00] =	vst v63  }
.LBB2_2:
0x19: {  	s0 =	simm.s32 $0x2  }
0x1a: {  	s26 =	simm.s32 $0x0;
	v8 =	vmov s0  }
0x1b: {  	v9 =	vmov s26;
	s26 =	simm.s32 $0x1;
	v8 =	vand.u32 $0x7E, v8  }
0x1c: {  	s1 =	simm.s32 $0x3;
	v9 =	vand.u32 $0x7C, v9;
	v11 =	vmov s26;
	v10 =	vbroadcast v8, $0x0  }
0x1d: {  	_ =	swait.ge [sflag:s17], $0x4000;
	v14 =	vbroadcast v9, $0x0;
	v8 =	vand.u32 $0x7D, v11;
	v9 =	vmov s1  }
0x1e: {  	p0 =	seq.s32 s25, $0x0;
	[sflag:s17] =	ssyncset.done $0x0;
	v9 =	vand.u32 $0x7F, v9;
	v15 =	vbroadcast v8, $0x0;
	v12 =	vor.u32 v0, v10  }
0x1f: {  	s0 =	simm.s32 @!p0 $0x3;
	[sflag:s17] =	ssyncadd.s32 $0xFFFFC000;
	v8 =	vor.u32 v0, v14;
	v11 =	vbroadcast v9, $0x0  }
0x20: {  	_ =	swait.ge @!p0 [sflag:s0], $0x2000;
	v9 =	vor.u32 v0, v15  }
0x21: {  	[sflag:s0] =	ssyncset.done @!p0 $0x0;
	v13 =	vor.u32 v0, v11  }
0x22: {  	[sflag:s0] =	ssyncadd.s32 @!p0 $0xFFFFE000  }
0x23: {  	v12 =	vld.idx.msk [tilespmem:v12+s15+$0x0], $0xffff  }
0x24: {  	v8 =	vld.idx.msk [tilespmem:v8+s15+$0x0], $0xffff  }
0x25: {  	v16 =	vor.u32 v1, v10;
	v9 =	vld.idx.msk [tilespmem:v9+s15+$0x0], $0xffff  }
0x26: {  	v17 =	vor.u32 v1, v14;
	v13 =	vld.idx.msk [tilespmem:v13+s15+$0x0], $0xffff  }
0x27: {  	v18 =	vor.u32 v1, v15  }
0x28: {  	s26 =	simm.s32 $0x9D00;
	v19 =	vor.u32 v1, v11;
	v12 =	vmax.f32 v12, $0.0e+00  }
0x29: {  	v8 =	vmax.f32 v8, $0.0e+00;
	[tilespmem:s26+$0x0] =	vst v12  }
0x2a: {  	[tilespmem:s26+$0xFFFFFF00] =	vst v8;
	v8 =	vmax.f32 v9, $0.0e+00;
	v12 =	vld.idx.msk [tilespmem:v16+s15+$0x0], $0xffff  }
0x2b: {  	v9 =	vmax.f32 v13, $0.0e+00;
	v13 =	vld.idx.msk [tilespmem:v17+s15+$0x0], $0xffff;
	[tilespmem:s26+$0xFFFFFF80] =	vst v8  }
0x2c: {  	[tilespmem:s26+$0x80] =	vst v9;
	v8 =	vld.idx.msk [tilespmem:v18+s15+$0x0], $0xffff;
	v9 =	vor.u32 v2, v10  }
0x2d: {  	v17 =	vor.u32 v2, v14;
	v16 =	vld.idx.msk [tilespmem:v19+s15+$0x0], $0xffff  }
0x2e: {  	v18 =	vor.u32 v2, v15  }
0x2f: {  	v19 =	vor.u32 v2, v11;
	v12 =	vmax.f32 v12, $0.0e+00  }
0x30: {  	[tilespmem:s26+$0x10] =	vst v12;
	v12 =	vmax.f32 v13, $0.0e+00  }
0x31: {  	v21 =	vor.u32 v3, v10;
	v8 =	vmax.f32 v8, $0.0e+00;
	v9 =	vld.idx.msk [tilespmem:v9+s15+$0x0], $0xffff;
	[tilespmem:s26+$0xFFFFFF10] =	vst v12  }
0x32: {  	s11 =	simm.s32 $0x4;
	s28 =	simm.s32 $0x6;
	v22 =	vor.u32 v3, v15;
	v13 =	vor.u32 v3, v14;
	v12 =	vmax.f32 v16, $0.0e+00;
	[tilespmem:s26+$0xFFFFFF90] =	vst v8;
	v20 =	vld.idx.msk [tilespmem:v17+s15+$0x0], $0xffff  }
0x33: {  	s1 =	simm.s32 $0x7;
	v8 =	vmov s11;
	v16 =	vmov s28;
	[tilespmem:s26+$0x90] =	vst v12;
	v12 =	vld.idx.msk [tilespmem:v18+s15+$0x0], $0xffff;
	v18 =	vor.u32 v3, v11  }
0x34: {  	s28 =	simm.s32 $0x5;
	v8 =	vand.u32 $0x7C, v8;
	v16 =	vand.u32 $0x7E, v16;
	v17 =	vmov s1;
	v19 =	vld.idx.msk [tilespmem:v19+s15+$0x0], $0xffff  }
0x35: {  	v23 =	vmov s28;
	v16 =	vbroadcast v16, $0x0;
	v17 =	vand.u32 $0x7F, v17  }
0x36: {  	v8 =	vbroadcast v8, $0x0;
	v17 =	vbroadcast v17, $0x0;
	v9 =	vmax.f32 v9, $0.0e+00  }
0x37: {  	v23 =	vand.u32 $0x7D, v23;
	[tilespmem:s26+$0x20] =	vst v9;
	v9 =	vmax.f32 v20, $0.0e+00;
	v20 =	vor.u32 v0, v16  }
0x38: {  	v12 =	vmax.f32 v12, $0.0e+00;
	v21 =	vld.idx.msk [tilespmem:v21+s15+$0x0], $0xffff;
	[tilespmem:s26+$0xFFFFFF20] =	vst v9;
	v9 =	vbroadcast v23, $0x0;
	v23 =	vor.u32 v0, v17  }
0x39: {  	v24 =	vor.u32 v0, v8;
	v19 =	vmax.f32 v19, $0.0e+00;
	[tilespmem:s26+$0xFFFFFFA0] =	vst v12;
	v13 =	vld.idx.msk [tilespmem:v13+s15+$0x0], $0xffff  }
0x3a: {  	[tilespmem:s26+$0xA0] =	vst v19;
	v12 =	vld.idx.msk [tilespmem:v22+s15+$0x0], $0xffff;
	v19 =	vor.u32 v0, v9  }
0x3b: {  	v22 =	vor.u32 v4, v10;
	v18 =	vld.idx.msk [tilespmem:v18+s15+$0x0], $0xffff  }
0x3c: {  	v25 =	vor.u32 v4, v15;
	v20 =	vld.idx.msk [tilespmem:v20+s15+$0x0], $0xffff  }
0x3d: {  	v26 =	vor.u32 v4, v11;
	v23 =	vld.idx.msk [tilespmem:v23+s15+$0x0], $0xffff  }
0x3e: {  	v27 =	vor.u32 v1, v16;
	v24 =	vld.idx.msk [tilespmem:v24+s15+$0x0], $0xffff;
	v21 =	vmax.f32 v21, $0.0e+00  }
0x3f: {  	[tilespmem:s26+$0x30] =	vst v21;
	v12 =	vmax.f32 v12, $0.0e+00;
	v21 =	vor.u32 v1, v17;
	v19 =	vld.idx.msk [tilespmem:v19+s15+$0x0], $0xffff  }
0x40: {  	v28 =	vor.u32 v1, v8;
	v18 =	vmax.f32 v18, $0.0e+00;
	[tilespmem:s26+$0xFFFFFFB0] =	vst v12;
	v12 =	vld.idx.msk [tilespmem:v22+s15+$0x0], $0xffff  }
0x41: {  	s28 =	simm.s32 $0x9F00;
	v22 =	vor.u32 v1, v9;
	[tilespmem:s26+$0xB0] =	vst v18;
	v18 =	vld.idx.msk [tilespmem:v25+s15+$0x0], $0xffff;
	v20 =	vmax.f32 v20, $0.0e+00  }
0x42: {  	v25 =	vld.idx.msk [tilespmem:v26+s15+$0x0], $0xffff;
	[tilespmem:s28+$0x0] =	vst v20;
	v20 =	vmax.f32 v23, $0.0e+00;
	v23 =	vor.u32 v5, v10  }
0x43: {  	v24 =	vmax.f32 v24, $0.0e+00;
	v26 =	vld.idx.msk [tilespmem:v27+s15+$0x0], $0xffff;
	[tilespmem:s28+$0x80] =	vst v20;
	v20 =	vor.u32 v5, v15  }
0x44: {  	[tilespmem:s28+$0xFFFFFF00] =	vst v24;
	v24 =	vor.u32 v5, v11;
	v19 =	vmax.f32 v19, $0.0e+00;
	v21 =	vld.idx.msk [tilespmem:v21+s15+$0x0], $0xffff  }
0x45: {  	v27 =	vld.idx.msk [tilespmem:v28+s15+$0x0], $0xffff;
	v12 =	vmax.f32 v12, $0.0e+00;
	[tilespmem:s28+$0xFFFFFF80] =	vst v19;
	v19 =	vor.u32 v2, v16  }
0x46: {  	v18 =	vmax.f32 v18, $0.0e+00;
	[tilespmem:s26+$0x40] =	vst v12;
	v12 =	vor.u32 v2, v17;
	v22 =	vld.idx.msk [tilespmem:v22+s15+$0x0], $0xffff  }
0x47: {  	[tilespmem:s26+$0xFFFFFFC0] =	vst v18;
	v25 =	vmax.f32 v25, $0.0e+00;
	v18 =	vld.idx.msk [tilespmem:v23+s15+$0x0], $0xffff;
	v23 =	vor.u32 v2, v8  }
0x48: {  	v28 =	vor.u32 v2, v9;
	[tilespmem:s26+$0xC0] =	vst v25;
	v20 =	vld.idx.msk [tilespmem:v20+s15+$0x0], $0xffff;
	v26 =	vmax.f32 v26, $0.0e+00  }
0x49: {  	v25 =	vor.u32 v6, v10;
	v24 =	vld.idx.msk [tilespmem:v24+s15+$0x0], $0xffff;
	[tilespmem:s28+$0x10] =	vst v26;
	v21 =	vmax.f32 v21, $0.0e+00  }
0x4a: {  	v29 =	vor.u32 v5, v14;
	v27 =	vmax.f32 v27, $0.0e+00;
	v19 =	vld.idx.msk [tilespmem:v19+s15+$0x0], $0xffff;
	[tilespmem:s28+$0x90] =	vst v21;
	v21 =	vor.u32 v4, v14  }
0x4b: {  	v30 =	vor.u32 v7, v11;
	s1 =	simm.s32 $0x9;
	[tilespmem:s28+$0xFFFFFF10] =	vst v27;
	v22 =	vmax.f32 v22, $0.0e+00;
	v27 =	vld.idx.msk [tilespmem:v12+s15+$0x0], $0xffff;
	v12 =	vor.u32 v6, v11  }
0x4c: {  	v32 =	vmov s1;
	v23 =	vld.idx.msk [tilespmem:v23+s15+$0x0], $0xffff;
	[tilespmem:s28+$0xFFFFFF90] =	vst v22;
	v18 =	vmax.f32 v18, $0.0e+00;
	v22 =	vor.u32 v3, v16  }
0x4d: {  	v31 =	vor.u32 v3, v9;
	v13 =	vmax.f32 v13, $0.0e+00;
	v11 =	vld.idx.msk [tilespmem:v28+s15+$0x0], $0xffff;
	[tilespmem:s26+$0x50] =	vst v18;
	v18 =	vor.u32 v6, v15  }
0x4e: {  	s11 =	simm.s32 $0x8;
	[tilespmem:s26+$0xFFFFFF30] =	vst v13;
	v28 =	vor.u32 v7, v10;
	v10 =	vmax.f32 v24, $0.0e+00;
	v24 =	vor.u32 v3, v17;
	v25 =	vld.idx.msk [tilespmem:v25+s15+$0x0], $0xffff  }
0x4f: {  	s29 =	simm.s32 $0xA;
	v13 =	vmov s11;
	v26 =	vor.u32 v3, v8;
	[tilespmem:s26+$0xD0] =	vst v10;
	v19 =	vmax.f32 v19, $0.0e+00;
	v21 =	vld.idx.msk [tilespmem:v21+s15+$0x0], $0xffff  }
0x50: {  	s11 =	simm.s32 $0xB;
	v20 =	vmax.f32 v20, $0.0e+00;
	v10 =	vand.u32 $0x7C, v13;
	v13 =	vmov s29;
	[tilespmem:s28+$0x20] =	vst v19;
	v19 =	vld.idx.msk [tilespmem:v12+s15+$0x0], $0xffff  }
0x51: {  	[tilespmem:s26+$0xFFFFFFD0] =	vst v20;
	v12 =	vand.u32 $0x7E, v13;
	v13 =	vmov s11;
	v20 =	vmax.f32 v27, $0.0e+00;
	v22 =	vld.idx.msk [tilespmem:v22+s15+$0x0], $0xffff  }
0x52: {  	v23 =	vmax.f32 v23, $0.0e+00;
	v12 =	vbroadcast v12, $0x0;
	v13 =	vand.u32 $0x7F, v13;
	[tilespmem:s28+$0xA0] =	vst v20;
	v18 =	vld.idx.msk [tilespmem:v18+s15+$0x0], $0xffff  }
0x53: {  	v10 =	vbroadcast v10, $0x0;
	[tilespmem:s28+$0xFFFFFF20] =	vst v23;
	v13 =	vbroadcast v13, $0x0;
	v24 =	vld.idx.msk [tilespmem:v24+s15+$0x0], $0xffff;
	v20 =	vmax.f32 v25, $0.0e+00  }
0x54: {  	v27 =	vmax.f32 v11, $0.0e+00;
	v23 =	vld.idx.msk [tilespmem:v26+s15+$0x0], $0xffff;
	v25 =	vand.u32 $0x7D, v32;
	v26 =	vor.u32 v0, v12;
	[tilespmem:s26+$0x60] =	vst v20  }
0x55: {  	[tilespmem:s28+$0xFFFFFFA0] =	vst v27;
	v11 =	vbroadcast v25, $0x0;
	v20 =	vor.u32 v0, v13;
	v21 =	vmax.f32 v21, $0.0e+00;
	v25 =	vld.idx.msk [tilespmem:v28+s15+$0x0], $0xffff  }
0x56: {  	v27 =	vor.u32 v0, v10;
	v28 =	vld.idx.msk [tilespmem:v31+s15+$0x0], $0xffff;
	[tilespmem:s26+$0xFFFFFF40] =	vst v21;
	v19 =	vmax.f32 v19, $0.0e+00  }
0x57: {  	v15 =	vor.u32 v7, v15;
	v29 =	vld.idx.msk [tilespmem:v29+s15+$0x0], $0xffff;
	[tilespmem:s26+$0xE0] =	vst v19  }
0x58: {  	v21 =	vor.u32 v0, v11;
	v19 =	vmax.f32 v22, $0.0e+00;
	v30 =	vld.idx.msk [tilespmem:v30+s15+$0x0], $0xffff  }
0x59: {  	v22 =	vor.u32 v4, v16;
	[tilespmem:s28+$0x30] =	vst v19;
	v18 =	vmax.f32 v18, $0.0e+00;
	v26 =	vld.idx.msk [tilespmem:v26+s15+$0x0], $0xffff  }
0x5a: {  	v31 =	vor.u32 v4, v9;
	v23 =	vmax.f32 v23, $0.0e+00;
	[tilespmem:s26+$0xFFFFFFE0] =	vst v18;
	v19 =	vld.idx.msk [tilespmem:v20+s15+$0x0], $0xffff  }
0x5b: {  	[tilespmem:s28+$0xFFFFFF30] =	vst v23;
	v20 =	vmax.f32 v24, $0.0e+00;
	v23 =	vor.u32 v6, v14;
	v24 =	vld.idx.msk [tilespmem:v27+s15+$0x0], $0xffff  }
0x5c: {  	v33 =	vld.idx.msk [tilespmem:v15+s15+$0x0], $0xffff;
	[tilespmem:s28+$0xB0] =	vst v20;
	v20 =	vor.u32 v4, v17;
	v25 =	vmax.f32 v25, $0.0e+00  }
0x5d: {  	v27 =	vor.u32 v1, v12;
	v28 =	vmax.f32 v28, $0.0e+00;
	v21 =	vld.idx.msk [tilespmem:v21+s15+$0x0], $0xffff;
	[tilespmem:s26+$0x70] =	vst v25  }
0x5e: {  	v25 =	vor.u32 v1, v13;
	[tilespmem:s28+$0xFFFFFFB0] =	vst v28;
	v22 =	vld.idx.msk [tilespmem:v22+s15+$0x0], $0xffff;
	v28 =	vmax.f32 v29, $0.0e+00  }
0x5f: {  	s29 =	simm.s32 $0xA100;
	v29 =	vor.u32 v1, v10;
	v31 =	vld.idx.msk [tilespmem:v31+s15+$0x0], $0xffff;
	[tilespmem:s26+$0xFFFFFF50] =	vst v28;
	v26 =	vmax.f32 v26, $0.0e+00  }
0x60: {  	v28 =	vmax.f32 v30, $0.0e+00;
	v30 =	vor.u32 v1, v11;
	v23 =	vld.idx.msk [tilespmem:v23+s15+$0x0], $0xffff;
	[tilespmem:s29+$0x0] =	vst v26;
	v19 =	vmax.f32 v19, $0.0e+00  }
0x61: {  	v26 =	vor.u32 v5, v16;
	v24 =	vmax.f32 v24, $0.0e+00;
	v20 =	vld.idx.msk [tilespmem:v20+s15+$0x0], $0xffff;
	[tilespmem:s29+$0x80] =	vst v19  }
0x62: {  	v27 =	vld.idx.msk [tilespmem:v27+s15+$0x0], $0xffff;
	v19 =	vor.u32 v5, v9;
	[tilespmem:s29+$0xFFFFFF00] =	vst v24;
	v21 =	vmax.f32 v21, $0.0e+00  }
0x63: {  	v24 =	vld.idx.msk [tilespmem:v25+s15+$0x0], $0xffff;
	[tilespmem:s29+$0xFFFFFF80] =	vst v21;
	v21 =	vmax.f32 v22, $0.0e+00;
	v22 =	vor.u32 v5, v17  }
0x64: {  	[tilespmem:s26+$0xF0] =	vst v28;
	v25 =	vld.idx.msk [tilespmem:v29+s15+$0x0], $0xffff;
	v29 =	vor.u32 v2, v12  }
0x65: {  	v28 =	vld.idx.msk [tilespmem:v30+s15+$0x0], $0xffff;
	v30 =	vmax.f32 v31, $0.0e+00;
	[tilespmem:s28+$0x40] =	vst v21;
	v21 =	vor.u32 v2, v13  }
0x66: {  	[tilespmem:s28+$0xFFFFFFC0] =	vst v30;
	v26 =	vld.idx.msk [tilespmem:v26+s15+$0x0], $0xffff;
	v30 =	vor.u32 v2, v10;
	v20 =	vmax.f32 v20, $0.0e+00  }
0x67: {  	v63 =	vor.u32 v2, v11;
	v19 =	vld.idx.msk [tilespmem:v19+s15+$0x0], $0xffff;
	v18 =	vmax.f32 v27, $0.0e+00;
	[tilespmem:s28+$0xC0] =	vst v20  }
0x68: {  	v32 =	vor.u32 v3, v12;
	[tilespmem:s29+$0x10] =	vst v18;
	v18 =	vmax.f32 v24, $0.0e+00;
	v24 =	vor.u32 v6, v16;
	v27 =	vld.idx.msk [tilespmem:v22+s15+$0x0], $0xffff  }
0x69: {  	v15 =	vor.u32 v3, v10;
	v20 =	vor.u32 v7, v14;
	v14 =	vmax.f32 v25, $0.0e+00;
	v31 =	vld.idx.msk [tilespmem:v29+s15+$0x0], $0xffff;
	[tilespmem:s29+$0x90] =	vst v18  }
0x6a: {  	v34 =	vmax.f32 v23, $0.0e+00;
	[tilespmem:s29+$0xFFFFFF10] =	vst v14;
	v18 =	vor.u32 v5, v8;
	v14 =	vmax.f32 v28, $0.0e+00;
	v25 =	vld.idx.msk [tilespmem:v21+s15+$0x0], $0xffff  }
0x6b: {  	v22 =	vor.u32 v6, v17;
	v28 =	vor.u32 v4, v8;
	v30 =	vld.idx.msk [tilespmem:v30+s15+$0x0], $0xffff;
	[tilespmem:s29+$0xFFFFFF90] =	vst v14;
	v21 =	vmax.f32 v26, $0.0e+00  }
0x6c: {  	v14 =	vor.u32 v7, v17;
	v26 =	vor.u32 v3, v11;
	v29 =	vld.idx.msk [tilespmem:v63+s15+$0x0], $0xffff;
	v23 =	vmax.f32 v19, $0.0e+00;
	[tilespmem:s28+$0x50] =	vst v21  }
0x6d: {  	s30 =	sshll.u32 s25, $0xA;
	s31 =	simm.s32 $0xC;
	[tilespmem:s26+$0xFFFFFF60] =	vst v34;
	v19 =	vor.u32 v7, v16;
	v21 =	vor.u32 v6, v9;
	v16 =	vmax.f32 v33, $0.0e+00;
	v24 =	vld.idx.msk [tilespmem:v24+s15+$0x0], $0xffff  }
.LBB2_3:
0x6e: {  	s0 =	sadd.s32 $0x1, s31  }
0x6f: {  	v33 =	vmov s31;
	p1 =	slt.u32 s31, $0x3C;
	v34 =	vor.u32 v3, v13;
	v27 =	vmax.f32 v27, $0.0e+00;
	v20 =	vld.idx.msk [tilespmem:v20+s15+$0x0], $0xffff;
	[tilespmem:s26+$0xFFFFFFF0] =	vst v16;
	v16 =	vmovc v12;
	v17 =	vmovc v13;
	s1 =	smov.u32 s31;
	s31 =	sadd.s32 $0x4, s31  }
0x70: {  	v31 =	vmax.f32 v31, $0.0e+00;
	v12 =	vand.u32 $0x7C, v33;
	v13 =	vmov s0;
	s0 =	sadd.s32 $0x2, s1;
	v28 =	vld.idx.msk [tilespmem:v28+s15+$0x0], $0xffff;
	[tilespmem:s28+$0xD0] =	vst v27  }
0x71: {  	v27 =	vbroadcast v12, $0x0;
	v33 =	vand.u32 $0x7D, v13;
	v12 =	vmov s0;
	s0 =	sadd.s32 $0x3, s1;
	[tilespmem:s29+$0x20] =	vst v31;
	v22 =	vld.idx.msk [tilespmem:v22+s15+$0x0], $0xffff  }
0x72: {  	v30 =	vmax.f32 v30, $0.0e+00;
	v12 =	vand.u32 $0x7E, v12;
	v13 =	vmov s0;
	v31 =	vld.idx.msk [tilespmem:v32+s15+$0x0], $0xffff;
	[tilespmem:s28+$0xFFFFFFD0] =	vst v23  }
0x73: {  	v23 =	vmax.f32 v25, $0.0e+00;
	v12 =	vbroadcast v12, $0x0;
	v13 =	vand.u32 $0x7F, v13;
	[tilespmem:s29+$0xFFFFFF20] =	vst v30;
	v21 =	vld.idx.msk [tilespmem:v21+s15+$0x0], $0xffff  }
0x74: {  	v25 =	vor.u32 v0, v27;
	v13 =	vbroadcast v13, $0x0;
	v30 =	vld.idx.msk [tilespmem:v15+s15+$0x0], $0xffff;
	[tilespmem:s29+$0xA0] =	vst v23;
	v15 =	vmax.f32 v24, $0.0e+00  }
0x75: {  	v24 =	vmax.f32 v29, $0.0e+00;
	v20 =	vmax.f32 v20, $0.0e+00;
	v23 =	vor.u32 v0, v12;
	v29 =	vld.idx.msk [tilespmem:v34+s15+$0x0], $0xffff;
	[tilespmem:s28+$0x60] =	vst v15  }
0x76: {  	v32 =	vbroadcast v33, $0x0;
	v33 =	vor.u32 v0, v13;
	[tilespmem:s29+$0xFFFFFFA0] =	vst v24;
	v24 =	vmax.f32 v28, $0.0e+00;
	v19 =	vld.idx.msk [tilespmem:v19+s15+$0x0], $0xffff  }
0x77: {  	v15 =	vor.u32 v3, v27;
	v22 =	vmax.f32 v22, $0.0e+00;
	v26 =	vld.idx.msk [tilespmem:v26+s15+$0x0], $0xffff;
	[tilespmem:s28+$0xFFFFFF40] =	vst v24  }
0x78: {  	v24 =	vor.u32 v0, v32;
	v28 =	vmax.f32 v31, $0.0e+00;
	v18 =	vld.idx.msk [tilespmem:v18+s15+$0x0], $0xffff;
	[tilespmem:s28+$0xE0] =	vst v22  }
0x79: {  	v22 =	vor.u32 v4, v16;
	v14 =	vld.idx.msk [tilespmem:v14+s15+$0x0], $0xffff;
	[tilespmem:s26+$0xFFFFFF70] =	vst v20;
	s26 =	smov.u32 s28;
	s28 =	smov.u32 s29  }
0x7a: {  	v20 =	vld.idx.msk [tilespmem:v23+s15+$0x0], $0xffff;
	v23 =	vmax.f32 v30, $0.0e+00;
	v30 =	vor.u32 v4, v11;
	[tilespmem:s29+$0x30] =	vst v28  }
0x7b: {  	v28 =	vor.u32 v1, v27;
	v31 =	vld.idx.msk [tilespmem:v33+s15+$0x0], $0xffff;
	[tilespmem:s29+$0xFFFFFF30] =	vst v23;
	v23 =	vmax.f32 v29, $0.0e+00;
	v29 =	vor.u32 v6, v8  }
0x7c: {  	v19 =	vmax.f32 v19, $0.0e+00;
	v25 =	vld.idx.msk [tilespmem:v25+s15+$0x0], $0xffff;
	[tilespmem:s29+$0xB0] =	vst v23;
	v23 =	vor.u32 v4, v17  }
0x7d: {  	v33 =	vor.u32 v1, v12;
	v26 =	vmax.f32 v26, $0.0e+00;
	v24 =	vld.idx.msk [tilespmem:v24+s15+$0x0], $0xffff;
	[tilespmem:s26+$0x70] =	vst v19  }
0x7e: {  	s29 =	sadd.s32 $0x200, s29;
	v19 =	vor.u32 v1, v13;
	v18 =	vmax.f32 v18, $0.0e+00;
	[tilespmem:s28+$0xFFFFFFB0] =	vst v26;
	v22 =	vld.idx.msk [tilespmem:v22+s15+$0x0], $0xffff  }
0x7f: {  	v14 =	vmax.f32 v14, $0.0e+00;
	v26 =	vld.idx.msk [tilespmem:v30+s15+$0x0], $0xffff;
	[tilespmem:s26+$0xFFFFFF50] =	vst v18  }
0x80: {  	v18 =	vor.u32 v1, v32;
	v20 =	vmax.f32 v20, $0.0e+00;
	v29 =	vld.idx.msk [tilespmem:v29+s15+$0x0], $0xffff;
	[tilespmem:s26+$0xF0] =	vst v14  }
0x81: {  	v30 =	vor.u32 v5, v16;
	v14 =	vmax.f32 v31, $0.0e+00;
	[tilespmem:s29+$0x0] =	vst v20;
	v23 =	vld.idx.msk [tilespmem:v23+s15+$0x0], $0xffff  }
0x82: {  	v20 =	vmax.f32 v25, $0.0e+00;
	v25 =	vld.idx.msk [tilespmem:v33+s15+$0x0], $0xffff;
	[tilespmem:s29+$0x80] =	vst v14;
	v14 =	vor.u32 v5, v11  }
0x83: {  	[tilespmem:s29+$0xFFFFFF00] =	vst v20;
	v20 =	vmax.f32 v24, $0.0e+00;
	v19 =	vld.idx.msk [tilespmem:v19+s15+$0x0], $0xffff;
	v24 =	vor.u32 v7, v9;
	v9 =	vmovc v11;
	v11 =	vmov v32  }
0x84: {  	v31 =	vor.u32 v5, v17;
	v22 =	vmax.f32 v22, $0.0e+00;
	v28 =	vld.idx.msk [tilespmem:v28+s15+$0x0], $0xffff;
	[tilespmem:s29+$0xFFFFFF80] =	vst v20;
	v20 =	vor.u32 v7, v8  }
0x85: {  	v32 =	vor.u32 v2, v12;
	v26 =	vmax.f32 v26, $0.0e+00;
	v8 =	vmovc v10;
	v10 =	vmov v27;
	v18 =	vld.idx.msk [tilespmem:v18+s15+$0x0], $0xffff;
	[tilespmem:s28+$0x40] =	vst v22  }
0x86: {  	v21 =	vmax.f32 v21, $0.0e+00;
	v22 =	vor.u32 v2, v13;
	v33 =	vmax.f32 v29, $0.0e+00;
	[tilespmem:s28+$0xFFFFFFC0] =	vst v26;
	v26 =	vld.idx.msk [tilespmem:v30+s15+$0x0], $0xffff  }
0x87: {  	v29 =	vor.u32 v2, v10;
	v34 =	vld.idx.msk [tilespmem:v14+s15+$0x0], $0xffff;
	v14 =	vmax.f32 v23, $0.0e+00;
	[tilespmem:s26+$0xFFFFFFE0] =	vst v21  }
0x88: {  	v21 =	vor.u32 v2, v11;
	v23 =	vmax.f32 v25, $0.0e+00;
	[tilespmem:s28+$0xC0] =	vst v14;
	v35 =	vld.idx.msk [tilespmem:v24+s15+$0x0], $0xffff  }
0x89: {  	v14 =	vmax.f32 v19, $0.0e+00;
	v24 =	vor.u32 v6, v16;
	[tilespmem:s29+$0x10] =	vst v23;
	v27 =	vld.idx.msk [tilespmem:v31+s15+$0x0], $0xffff  }
.Ltmp0:
0x8a: {  	v19 =	vmax.f32 v28, $0.0e+00;
	v31 =	vld.idx.msk [tilespmem:v32+s15+$0x0], $0xffff;
	[tilespmem:s29+$0x90] =	vst v14;
	(pc) =	sbr.rel @p1 .LBB2_3-.Ltmp0, $4  }
0x8b: {  	v28 =	vor.u32 v4, v8;
	v14 =	vmax.f32 v18, $0.0e+00;
	v18 =	vor.u32 v5, v8;
	[tilespmem:s29+$0xFFFFFF10] =	vst v19;
	v25 =	vld.idx.msk [tilespmem:v22+s15+$0x0], $0xffff  }
0x8c: {  	v19 =	vmax.f32 v26, $0.0e+00;
	v22 =	vor.u32 v6, v17;
	v30 =	vld.idx.msk [tilespmem:v29+s15+$0x0], $0xffff;
	[tilespmem:s29+$0xFFFFFF90] =	vst v14;
	v14 =	vor.u32 v7, v17  }
0x8d: {  	v32 =	vor.u32 v3, v12;
	v23 =	vmax.f32 v34, $0.0e+00;
	v29 =	vld.idx.msk [tilespmem:v21+s15+$0x0], $0xffff;
	[tilespmem:s28+$0x50] =	vst v19;
	v19 =	vor.u32 v7, v16  }
0x8e: {  	v26 =	vor.u32 v3, v11;
	v21 =	vor.u32 v6, v9;
	v16 =	vmax.f32 v35, $0.0e+00;
	v24 =	vld.idx.msk [tilespmem:v24+s15+$0x0], $0xffff;
	[tilespmem:s26+$0xFFFFFF60] =	vst v33  }
0x8f: {  	v17 =	vor.u32 v3, v13;
	_ =	sdelay $0x1  }
0x90: {  	v31 =	vmax.f32 v31, $0.0e+00  }
0x91: {  	[tilespmem:s29+$0x20] =	vst v31;
	v25 =	vmax.f32 v25, $0.0e+00  }
0x92: {  	v31 =	vld.idx.msk [tilespmem:v32+s15+$0x0], $0xffff;
	[tilespmem:s29+$0xA0] =	vst v25;
	v25 =	vmax.f32 v29, $0.0e+00  }
0x93: {  	v29 =	vmax.f32 v30, $0.0e+00;
	[tilespmem:s29+$0xFFFFFFA0] =	vst v25;
	v17 =	vld.idx.msk [tilespmem:v17+s15+$0x0], $0xffff  }
0x94: {  	[tilespmem:s29+$0xFFFFFF20] =	vst v29;
	v25 =	vld.idx.msk [tilespmem:v26+s15+$0x0], $0xffff;
	v26 =	vor.u32 v4, v12  }
0x95: {  	v29 =	vor.u32 v4, v13;
	v15 =	vld.idx.msk [tilespmem:v15+s15+$0x0], $0xffff  }
0x96: {  	v27 =	vmax.f32 v27, $0.0e+00;
	[tilespmem:s26+$0xFFFFFFF0] =	vst v16;
	v16 =	vor.u32 v4, v11  }
0x97: {  	[tilespmem:s28+$0xD0] =	vst v27;
	v30 =	vor.u32 v4, v10;
	v27 =	vmax.f32 v31, $0.0e+00  }
0x98: {  	v28 =	vld.idx.msk [tilespmem:v28+s15+$0x0], $0xffff;
	[tilespmem:s29+$0x30] =	vst v27;
	v17 =	vmax.f32 v17, $0.0e+00  }
0x99: {  	[tilespmem:s29+$0xB0] =	vst v17;
	v17 =	vmax.f32 v25, $0.0e+00;
	v25 =	vld.idx.msk [tilespmem:v26+s15+$0x0], $0xffff  }
0x9a: {  	v15 =	vmax.f32 v15, $0.0e+00;
	[tilespmem:s29+$0xFFFFFFB0] =	vst v17;
	v17 =	vld.idx.msk [tilespmem:v29+s15+$0x0], $0xffff  }
0x9b: {  	[tilespmem:s29+$0xFFFFFF30] =	vst v15;
	v15 =	vld.idx.msk [tilespmem:v16+s15+$0x0], $0xffff;
	v16 =	vor.u32 v5, v12  }
0x9c: {  	[tilespmem:s28+$0xFFFFFFD0] =	vst v23;
	v23 =	vmax.f32 v24, $0.0e+00;
	v24 =	vor.u32 v5, v13;
	v26 =	vld.idx.msk [tilespmem:v30+s15+$0x0], $0xffff  }
0x9d: {  	v22 =	vld.idx.msk [tilespmem:v22+s15+$0x0], $0xffff;
	[tilespmem:s28+$0x60] =	vst v23;
	v23 =	vmax.f32 v28, $0.0e+00;
	v27 =	vor.u32 v5, v11  }
0x9e: {  	v20 =	vld.idx.msk [tilespmem:v20+s15+$0x0], $0xffff;
	[tilespmem:s28+$0xFFFFFF40] =	vst v23;
	v23 =	vmax.f32 v25, $0.0e+00;
	v25 =	vor.u32 v5, v10  }
0x9f: {  	v18 =	vld.idx.msk [tilespmem:v18+s15+$0x0], $0xffff;
	[tilespmem:s29+$0x40] =	vst v23;
	v17 =	vmax.f32 v17, $0.0e+00  }
0xa0: {  	v15 =	vmax.f32 v15, $0.0e+00;
	v16 =	vld.idx.msk [tilespmem:v16+s15+$0x0], $0xffff;
	[tilespmem:s29+$0xC0] =	vst v17  }
0xa1: {  	v23 =	vmax.f32 v26, $0.0e+00;
	v17 =	vor.u32 v6, v8;
	[tilespmem:s29+$0xFFFFFFC0] =	vst v15;
	v15 =	vld.idx.msk [tilespmem:v24+s15+$0x0], $0xffff  }
0xa2: {  	v22 =	vmax.f32 v22, $0.0e+00;
	v26 =	vor.u32 v6, v12;
	[tilespmem:s29+$0xFFFFFF40] =	vst v23;
	v24 =	vld.idx.msk [tilespmem:v27+s15+$0x0], $0xffff  }
0xa3: {  	v20 =	vmax.f32 v20, $0.0e+00;
	[tilespmem:s28+$0xE0] =	vst v22;
	v22 =	vor.u32 v6, v13;
	v23 =	vld.idx.msk [tilespmem:v25+s15+$0x0], $0xffff  }
0xa4: {  	v19 =	vld.idx.msk [tilespmem:v19+s15+$0x0], $0xffff;
	[tilespmem:s26+$0xFFFFFF70] =	vst v20;
	v20 =	vor.u32 v6, v11;
	v18 =	vmax.f32 v18, $0.0e+00  }
0xa5: {  	v21 =	vld.idx.msk [tilespmem:v21+s15+$0x0], $0xffff;
	[tilespmem:s28+$0xFFFFFF50] =	vst v18;
	v18 =	vor.u32 v6, v10;
	v16 =	vmax.f32 v16, $0.0e+00  }
0xa6: {  	v17 =	vld.idx.msk [tilespmem:v17+s15+$0x0], $0xffff;
	[tilespmem:s29+$0x50] =	vst v16;
	v15 =	vmax.f32 v15, $0.0e+00  }
0xa7: {  	v9 =	vor.u32 v7, v9;
	v16 =	vmax.f32 v24, $0.0e+00;
	v24 =	vld.idx.msk [tilespmem:v26+s15+$0x0], $0xffff;
	[tilespmem:s29+$0xD0] =	vst v15  }
0xa8: {  	v8 =	vor.u32 v7, v8;
	v15 =	vld.idx.msk [tilespmem:v22+s15+$0x0], $0xffff;
	[tilespmem:s29+$0xFFFFFFD0] =	vst v16;
	v16 =	vmax.f32 v23, $0.0e+00  }
0xa9: {  	v19 =	vmax.f32 v19, $0.0e+00;
	v12 =	vor.u32 v7, v12;
	v20 =	vld.idx.msk [tilespmem:v20+s15+$0x0], $0xffff;
	[tilespmem:s29+$0xFFFFFF50] =	vst v16  }
0xaa: {  	v13 =	vor.u32 v7, v13;
	[tilespmem:s28+$0x70] =	vst v19;
	v16 =	vmax.f32 v21, $0.0e+00;
	v18 =	vld.idx.msk [tilespmem:v18+s15+$0x0], $0xffff  }
0xab: {  	v11 =	vor.u32 v7, v11;
	v14 =	vld.idx.msk [tilespmem:v14+s15+$0x0], $0xffff;
	v17 =	vmax.f32 v17, $0.0e+00;
	[tilespmem:s28+$0xFFFFFFE0] =	vst v16  }
0xac: {  	v10 =	vor.u32 v7, v10;
	v9 =	vld.idx.msk [tilespmem:v9+s15+$0x0], $0xffff;
	[tilespmem:s28+$0xFFFFFF60] =	vst v17;
	v16 =	vmax.f32 v24, $0.0e+00  }
0xad: {  	v8 =	vld.idx.msk [tilespmem:v8+s15+$0x0], $0xffff;
	[tilespmem:s29+$0x60] =	vst v16;
	v15 =	vmax.f32 v15, $0.0e+00  }
0xae: {  	v12 =	vld.idx.msk [tilespmem:v12+s15+$0x0], $0xffff;
	[tilespmem:s29+$0xE0] =	vst v15;
	v15 =	vmax.f32 v20, $0.0e+00  }
0xaf: {  	v13 =	vld.idx.msk [tilespmem:v13+s15+$0x0], $0xffff;
	v16 =	vmax.f32 v18, $0.0e+00;
	[tilespmem:s29+$0xFFFFFFE0] =	vst v15  }
0xb0: {  	v14 =	vmax.f32 v14, $0.0e+00;
	v11 =	vld.idx.msk [tilespmem:v11+s15+$0x0], $0xffff;
	[tilespmem:s29+$0xFFFFFF60] =	vst v16  }
0xb1: {  	[tilespmem:s28+$0xF0] =	vst v14;
	v9 =	vmax.f32 v9, $0.0e+00;
	v10 =	vld.idx.msk [tilespmem:v10+s15+$0x0], $0xffff  }
0xb2: {  	[tilespmem:s28+$0xFFFFFFF0] =	vst v9;
	v8 =	vmax.f32 v8, $0.0e+00  }
0xb3: {  	[tilespmem:s28+$0xFFFFFF70] =	vst v8;
	v8 =	vmax.f32 v12, $0.0e+00  }
0xb4: {  	[tilespmem:s29+$0x70] =	vst v8;
	v8 =	vmax.f32 v13, $0.0e+00  }
0xb5: {  	p1 =	seq.s32 s25, $0x18;
	[tilespmem:s29+$0xF0] =	vst v8;
	v8 =	vmax.f32 v11, $0.0e+00  }
0xb6: {  	s11 =	sshll.u32 s25, $0x14;
	s26 =	sshrl.u32 @!p1 s30, $0x2;
	[tilespmem:s29+$0xFFFFFFF0] =	vst v8;
	v8 =	vmax.f32 v10, $0.0e+00  }
0xb7: {  	s1 =	simm.s32 @!p1 $0x80;
	s0 =	sadd.s32 @!p1 $0x100, s26;
	s28 =	simm.s32 @!p1 $0x1C00;
	[tilespmem:s29+$0xFFFFFF70] =	vst v8  }
0xb8: {  	[tilespmem:s28], [sflag:$0x1] =	stream.indirect.gather @!p1 [hbm4b:s5+s1], $0x80, s0, s1, $0xb8;
	[tilespmem:$0xDC00] =	vst v63  }
0xb9: {  	s0 =	sor.u32 s4, s11;
	s1 =	simm.s32 $0x2  }
0xba: {  	s11 =	simm.s32 $0x0;
	s28 =	sshrl.u32 s0, $0x3;
	v8 =	vmov s1  }
0xbb: {  	v9 =	vmov s11;
	s1 =	simm.s32 $0x1;
	s11 =	simm.s32 $0x3;
	s0 =	sadd.s32 s2, s28;
	v8 =	vand.u32 $0x7E, v8  }
0xbc: {  	v9 =	vand.u32 $0x7C, v9;
	v11 =	vmov s1;
	[hbm4b:s0+s10] =	stream.strided.scatter [tilespmem:s19], [sflag:$0x3], $0x2000, s18, s10, $0x38;
	v10 =	vbroadcast v8, $0x0;
	[tilespmem:$0xDC00] =	vst v63  }
0xbd: {  	v14 =	vbroadcast v9, $0x0;
	v8 =	vand.u32 $0x7D, v11;
	v9 =	vmov s11;
	_ =	swait.ge [sflag:s20], $0x4000  }
0xbe: {  	v9 =	vand.u32 $0x7F, v9;
	v15 =	vbroadcast v8, $0x0;
	[sflag:s20] =	ssyncset.done $0x0;
	v12 =	vor.u32 v0, v10  }
0xbf: {  	s0 =	simm.s32 @!p0 $0x4;
	v8 =	vor.u32 v0, v14;
	v11 =	vbroadcast v9, $0x0;
	[sflag:s20] =	ssyncadd.s32 $0xFFFFC000  }
0xc0: {  	v9 =	vor.u32 v0, v15;
	_ =	swait.ge @!p0 [sflag:s0], $0x2000  }
0xc1: {  	v13 =	vor.u32 v0, v11;
	[sflag:s0] =	ssyncset.done @!p0 $0x0  }
0xc2: {  	[sflag:s0] =	ssyncadd.s32 @!p0 $0xFFFFE000  }
0xc3: {  	v12 =	vld.idx.msk [tilespmem:v12+s16+$0x0], $0xffff  }
0xc4: {  	v8 =	vld.idx.msk [tilespmem:v8+s16+$0x0], $0xffff  }
0xc5: {  	v16 =	vor.u32 v1, v10;
	v9 =	vld.idx.msk [tilespmem:v9+s16+$0x0], $0xffff  }
0xc6: {  	v17 =	vor.u32 v1, v14;
	v13 =	vld.idx.msk [tilespmem:v13+s16+$0x0], $0xffff  }
0xc7: {  	v18 =	vor.u32 v1, v15  }
0xc8: {  	s29 =	simm.s32 $0xBD00;
	v19 =	vor.u32 v1, v11;
	v12 =	vmax.f32 v12, $0.0e+00  }
0xc9: {  	v8 =	vmax.f32 v8, $0.0e+00;
	[tilespmem:s29+$0x0] =	vst v12  }
0xca: {  	[tilespmem:s29+$0xFFFFFF00] =	vst v8;
	v8 =	vmax.f32 v9, $0.0e+00;
	v12 =	vld.idx.msk [tilespmem:v16+s16+$0x0], $0xffff  }
0xcb: {  	v9 =	vmax.f32 v13, $0.0e+00;
	v13 =	vld.idx.msk [tilespmem:v17+s16+$0x0], $0xffff;
	[tilespmem:s29+$0xFFFFFF80] =	vst v8  }
0xcc: {  	[tilespmem:s29+$0x80] =	vst v9;
	v8 =	vld.idx.msk [tilespmem:v18+s16+$0x0], $0xffff;
	v9 =	vor.u32 v2, v10  }
0xcd: {  	v17 =	vor.u32 v2, v14;
	v16 =	vld.idx.msk [tilespmem:v19+s16+$0x0], $0xffff  }
0xce: {  	v18 =	vor.u32 v2, v15  }
0xcf: {  	v19 =	vor.u32 v2, v11;
	v12 =	vmax.f32 v12, $0.0e+00  }
0xd0: {  	[tilespmem:s29+$0x10] =	vst v12;
	v12 =	vmax.f32 v13, $0.0e+00  }
0xd1: {  	v21 =	vor.u32 v3, v10;
	v8 =	vmax.f32 v8, $0.0e+00;
	v9 =	vld.idx.msk [tilespmem:v9+s16+$0x0], $0xffff;
	[tilespmem:s29+$0xFFFFFF10] =	vst v12  }
0xd2: {  	s1 =	simm.s32 $0x4;
	s11 =	simm.s32 $0x6;
	v22 =	vor.u32 v3, v15;
	v13 =	vor.u32 v3, v14;
	v12 =	vmax.f32 v16, $0.0e+00;
	[tilespmem:s29+$0xFFFFFF90] =	vst v8;
	v20 =	vld.idx.msk [tilespmem:v17+s16+$0x0], $0xffff  }
0xd3: {  	v8 =	vmov s1;
	v16 =	vmov s11;
	s1 =	simm.s32 $0x7;
	[tilespmem:s29+$0x90] =	vst v12;
	v12 =	vld.idx.msk [tilespmem:v18+s16+$0x0], $0xffff;
	v18 =	vor.u32 v3, v11  }
0xd4: {  	s11 =	simm.s32 $0x5;
	v8 =	vand.u32 $0x7C, v8;
	v16 =	vand.u32 $0x7E, v16;
	v17 =	vmov s1;
	v19 =	vld.idx.msk [tilespmem:v19+s16+$0x0], $0xffff  }
0xd5: {  	v23 =	vmov s11;
	v16 =	vbroadcast v16, $0x0;
	v17 =	vand.u32 $0x7F, v17  }
0xd6: {  	v8 =	vbroadcast v8, $0x0;
	v17 =	vbroadcast v17, $0x0;
	v9 =	vmax.f32 v9, $0.0e+00  }
0xd7: {  	v23 =	vand.u32 $0x7D, v23;
	[tilespmem:s29+$0x20] =	vst v9;
	v9 =	vmax.f32 v20, $0.0e+00;
	v20 =	vor.u32 v0, v16  }
0xd8: {  	v12 =	vmax.f32 v12, $0.0e+00;
	v21 =	vld.idx.msk [tilespmem:v21+s16+$0x0], $0xffff;
	[tilespmem:s29+$0xFFFFFF20] =	vst v9;
	v9 =	vbroadcast v23, $0x0;
	v23 =	vor.u32 v0, v17  }
0xd9: {  	v24 =	vor.u32 v0, v8;
	v19 =	vmax.f32 v19, $0.0e+00;
	[tilespmem:s29+$0xFFFFFFA0] =	vst v12;
	v13 =	vld.idx.msk [tilespmem:v13+s16+$0x0], $0xffff  }
0xda: {  	[tilespmem:s29+$0xA0] =	vst v19;
	v12 =	vld.idx.msk [tilespmem:v22+s16+$0x0], $0xffff;
	v19 =	vor.u32 v0, v9  }
0xdb: {  	v22 =	vor.u32 v4, v10;
	v18 =	vld.idx.msk [tilespmem:v18+s16+$0x0], $0xffff  }
0xdc: {  	v25 =	vor.u32 v4, v15;
	v20 =	vld.idx.msk [tilespmem:v20+s16+$0x0], $0xffff  }
0xdd: {  	v26 =	vor.u32 v4, v11;
	v23 =	vld.idx.msk [tilespmem:v23+s16+$0x0], $0xffff  }
0xde: {  	v27 =	vor.u32 v1, v16;
	v24 =	vld.idx.msk [tilespmem:v24+s16+$0x0], $0xffff;
	v21 =	vmax.f32 v21, $0.0e+00  }
0xdf: {  	[tilespmem:s29+$0x30] =	vst v21;
	v12 =	vmax.f32 v12, $0.0e+00;
	v21 =	vor.u32 v1, v17;
	v19 =	vld.idx.msk [tilespmem:v19+s16+$0x0], $0xffff  }
0xe0: {  	v28 =	vor.u32 v1, v8;
	v18 =	vmax.f32 v18, $0.0e+00;
	[tilespmem:s29+$0xFFFFFFB0] =	vst v12;
	v12 =	vld.idx.msk [tilespmem:v22+s16+$0x0], $0xffff  }
0xe1: {  	s30 =	simm.s32 $0xBF00;
	v22 =	vor.u32 v1, v9;
	[tilespmem:s29+$0xB0] =	vst v18;
	v18 =	vld.idx.msk [tilespmem:v25+s16+$0x0], $0xffff;
	v20 =	vmax.f32 v20, $0.0e+00  }
0xe2: {  	v25 =	vld.idx.msk [tilespmem:v26+s16+$0x0], $0xffff;
	[tilespmem:s30+$0x0] =	vst v20;
	v20 =	vmax.f32 v23, $0.0e+00;
	v23 =	vor.u32 v5, v10  }
0xe3: {  	v24 =	vmax.f32 v24, $0.0e+00;
	v26 =	vld.idx.msk [tilespmem:v27+s16+$0x0], $0xffff;
	[tilespmem:s30+$0x80] =	vst v20;
	v20 =	vor.u32 v5, v15  }
0xe4: {  	[tilespmem:s30+$0xFFFFFF00] =	vst v24;
	v24 =	vor.u32 v5, v11;
	v19 =	vmax.f32 v19, $0.0e+00;
	v21 =	vld.idx.msk [tilespmem:v21+s16+$0x0], $0xffff  }
0xe5: {  	v27 =	vld.idx.msk [tilespmem:v28+s16+$0x0], $0xffff;
	v12 =	vmax.f32 v12, $0.0e+00;
	[tilespmem:s30+$0xFFFFFF80] =	vst v19;
	v19 =	vor.u32 v2, v16  }
0xe6: {  	v18 =	vmax.f32 v18, $0.0e+00;
	[tilespmem:s29+$0x40] =	vst v12;
	v12 =	vor.u32 v2, v17;
	v22 =	vld.idx.msk [tilespmem:v22+s16+$0x0], $0xffff  }
0xe7: {  	[tilespmem:s29+$0xFFFFFFC0] =	vst v18;
	v25 =	vmax.f32 v25, $0.0e+00;
	v18 =	vld.idx.msk [tilespmem:v23+s16+$0x0], $0xffff;
	v23 =	vor.u32 v2, v8  }
0xe8: {  	v28 =	vor.u32 v2, v9;
	[tilespmem:s29+$0xC0] =	vst v25;
	v20 =	vld.idx.msk [tilespmem:v20+s16+$0x0], $0xffff;
	v26 =	vmax.f32 v26, $0.0e+00  }
0xe9: {  	v25 =	vor.u32 v6, v10;
	v24 =	vld.idx.msk [tilespmem:v24+s16+$0x0], $0xffff;
	[tilespmem:s30+$0x10] =	vst v26;
	v21 =	vmax.f32 v21, $0.0e+00  }
0xea: {  	v29 =	vor.u32 v5, v14;
	v27 =	vmax.f32 v27, $0.0e+00;
	v19 =	vld.idx.msk [tilespmem:v19+s16+$0x0], $0xffff;
	[tilespmem:s30+$0x90] =	vst v21;
	v21 =	vor.u32 v4, v14  }
0xeb: {  	v30 =	vor.u32 v7, v11;
	s1 =	simm.s32 $0x9;
	[tilespmem:s30+$0xFFFFFF10] =	vst v27;
	v22 =	vmax.f32 v22, $0.0e+00;
	v27 =	vld.idx.msk [tilespmem:v12+s16+$0x0], $0xffff;
	v12 =	vor.u32 v6, v11  }
0xec: {  	v62 =	vmov s1;
	v23 =	vld.idx.msk [tilespmem:v23+s16+$0x0], $0xffff;
	[tilespmem:s30+$0xFFFFFF90] =	vst v22;
	v18 =	vmax.f32 v18, $0.0e+00;
	v22 =	vor.u32 v3, v16  }
0xed: {  	v31 =	vor.u32 v3, v9;
	v13 =	vmax.f32 v13, $0.0e+00;
	v11 =	vld.idx.msk [tilespmem:v28+s16+$0x0], $0xffff;
	[tilespmem:s29+$0x50] =	vst v18;
	v18 =	vor.u32 v6, v15  }
0xee: {  	s11 =	simm.s32 $0x8;
	[tilespmem:s29+$0xFFFFFF30] =	vst v13;
	v28 =	vor.u32 v7, v10;
	v10 =	vmax.f32 v24, $0.0e+00;
	v24 =	vor.u32 v3, v17;
	v25 =	vld.idx.msk [tilespmem:v25+s16+$0x0], $0xffff  }
0xef: {  	v13 =	vmov s11;
	s11 =	simm.s32 $0xA;
	v26 =	vor.u32 v3, v8;
	[tilespmem:s29+$0xD0] =	vst v10;
	v19 =	vmax.f32 v19, $0.0e+00;
	v21 =	vld.idx.msk [tilespmem:v21+s16+$0x0], $0xffff  }
0xf0: {  	v20 =	vmax.f32 v20, $0.0e+00;
	v10 =	vand.u32 $0x7C, v13;
	v13 =	vmov s11;
	s11 =	simm.s32 $0xB;
	[tilespmem:s30+$0x20] =	vst v19;
	v19 =	vld.idx.msk [tilespmem:v12+s16+$0x0], $0xffff  }
0xf1: {  	[tilespmem:s29+$0xFFFFFFD0] =	vst v20;
	v12 =	vand.u32 $0x7E, v13;
	v13 =	vmov s11;
	v20 =	vmax.f32 v27, $0.0e+00;
	v22 =	vld.idx.msk [tilespmem:v22+s16+$0x0], $0xffff  }
0xf2: {  	v23 =	vmax.f32 v23, $0.0e+00;
	v12 =	vbroadcast v12, $0x0;
	v13 =	vand.u32 $0x7F, v13;
	[tilespmem:s30+$0xA0] =	vst v20;
	v18 =	vld.idx.msk [tilespmem:v18+s16+$0x0], $0xffff  }
0xf3: {  	v10 =	vbroadcast v10, $0x0;
	[tilespmem:s30+$0xFFFFFF20] =	vst v23;
	v13 =	vbroadcast v13, $0x0;
	v24 =	vld.idx.msk [tilespmem:v24+s16+$0x0], $0xffff;
	v20 =	vmax.f32 v25, $0.0e+00  }
0xf4: {  	v27 =	vmax.f32 v11, $0.0e+00;
	v23 =	vld.idx.msk [tilespmem:v26+s16+$0x0], $0xffff;
	v25 =	vand.u32 $0x7D, v62;
	v26 =	vor.u32 v0, v12;
	[tilespmem:s29+$0x60] =	vst v20  }
0xf5: {  	[tilespmem:s30+$0xFFFFFFA0] =	vst v27;
	v11 =	vbroadcast v25, $0x0;
	v20 =	vor.u32 v0, v13;
	v21 =	vmax.f32 v21, $0.0e+00;
	v25 =	vld.idx.msk [tilespmem:v28+s16+$0x0], $0xffff  }
0xf6: {  	v27 =	vor.u32 v0, v10;
	v28 =	vld.idx.msk [tilespmem:v31+s16+$0x0], $0xffff;
	[tilespmem:s29+$0xFFFFFF40] =	vst v21;
	v19 =	vmax.f32 v19, $0.0e+00  }
0xf7: {  	v15 =	vor.u32 v7, v15;
	v29 =	vld.idx.msk [tilespmem:v29+s16+$0x0], $0xffff;
	[tilespmem:s29+$0xE0] =	vst v19  }
0xf8: {  	v21 =	vor.u32 v0, v11;
	v19 =	vmax.f32 v22, $0.0e+00;
	v30 =	vld.idx.msk [tilespmem:v30+s16+$0x0], $0xffff  }
0xf9: {  	v22 =	vor.u32 v4, v16;
	[tilespmem:s30+$0x30] =	vst v19;
	v18 =	vmax.f32 v18, $0.0e+00;
	v26 =	vld.idx.msk [tilespmem:v26+s16+$0x0], $0xffff  }
0xfa: {  	v31 =	vor.u32 v4, v9;
	v23 =	vmax.f32 v23, $0.0e+00;
	[tilespmem:s29+$0xFFFFFFE0] =	vst v18;
	v19 =	vld.idx.msk [tilespmem:v20+s16+$0x0], $0xffff  }
0xfb: {  	[tilespmem:s30+$0xFFFFFF30] =	vst v23;
	v20 =	vmax.f32 v24, $0.0e+00;
	v23 =	vor.u32 v6, v14;
	v24 =	vld.idx.msk [tilespmem:v27+s16+$0x0], $0xffff  }
0xfc: {  	v33 =	vld.idx.msk [tilespmem:v15+s16+$0x0], $0xffff;
	[tilespmem:s30+$0xB0] =	vst v20;
	v20 =	vor.u32 v4, v17;
	v25 =	vmax.f32 v25, $0.0e+00  }
0xfd: {  	v27 =	vor.u32 v1, v12;
	v28 =	vmax.f32 v28, $0.0e+00;
	v21 =	vld.idx.msk [tilespmem:v21+s16+$0x0], $0xffff;
	[tilespmem:s29+$0x70] =	vst v25  }
0xfe: {  	v25 =	vor.u32 v1, v13;
	[tilespmem:s30+$0xFFFFFFB0] =	vst v28;
	v22 =	vld.idx.msk [tilespmem:v22+s16+$0x0], $0xffff;
	v28 =	vmax.f32 v29, $0.0e+00  }
0xff: {  	s31 =	simm.s32 $0xC100;
	v29 =	vor.u32 v1, v10;
	v31 =	vld.idx.msk [tilespmem:v31+s16+$0x0], $0xffff;
	[tilespmem:s29+$0xFFFFFF50] =	vst v28;
	v26 =	vmax.f32 v26, $0.0e+00  }
0x100: {  	v28 =	vmax.f32 v30, $0.0e+00;
	v30 =	vor.u32 v1, v11;
	v23 =	vld.idx.msk [tilespmem:v23+s16+$0x0], $0xffff;
	[tilespmem:s31+$0x0] =	vst v26;
	v19 =	vmax.f32 v19, $0.0e+00  }
0x101: {  	v26 =	vor.u32 v5, v16;
	v24 =	vmax.f32 v24, $0.0e+00;
	v20 =	vld.idx.msk [tilespmem:v20+s16+$0x0], $0xffff;
	[tilespmem:s31+$0x80] =	vst v19  }
0x102: {  	v27 =	vld.idx.msk [tilespmem:v27+s16+$0x0], $0xffff;
	v19 =	vor.u32 v5, v9;
	[tilespmem:s31+$0xFFFFFF00] =	vst v24;
	v21 =	vmax.f32 v21, $0.0e+00  }
0x103: {  	v24 =	vld.idx.msk [tilespmem:v25+s16+$0x0], $0xffff;
	[tilespmem:s31+$0xFFFFFF80] =	vst v21;
	v21 =	vmax.f32 v22, $0.0e+00;
	v22 =	vor.u32 v5, v17  }
0x104: {  	[tilespmem:s29+$0xF0] =	vst v28;
	v25 =	vld.idx.msk [tilespmem:v29+s16+$0x0], $0xffff;
	v29 =	vor.u32 v2, v12  }
0x105: {  	v28 =	vld.idx.msk [tilespmem:v30+s16+$0x0], $0xffff;
	v30 =	vmax.f32 v31, $0.0e+00;
	[tilespmem:s30+$0x40] =	vst v21;
	v21 =	vor.u32 v2, v13  }
0x106: {  	[tilespmem:s30+$0xFFFFFFC0] =	vst v30;
	v26 =	vld.idx.msk [tilespmem:v26+s16+$0x0], $0xffff;
	v30 =	vor.u32 v2, v10;
	v20 =	vmax.f32 v20, $0.0e+00  }
0x107: {  	v63 =	vor.u32 v2, v11;
	v19 =	vld.idx.msk [tilespmem:v19+s16+$0x0], $0xffff;
	v18 =	vmax.f32 v27, $0.0e+00;
	[tilespmem:s30+$0xC0] =	vst v20  }
0x108: {  	v34 =	vor.u32 v6, v16;
	v32 =	vor.u32 v3, v12;
	[tilespmem:s31+$0x10] =	vst v18;
	v18 =	vmax.f32 v24, $0.0e+00;
	v27 =	vld.idx.msk [tilespmem:v22+s16+$0x0], $0xffff  }
0x109: {  	v15 =	vor.u32 v3, v10;
	v20 =	vor.u32 v7, v14;
	v14 =	vmax.f32 v25, $0.0e+00;
	v31 =	vld.idx.msk [tilespmem:v29+s16+$0x0], $0xffff;
	[tilespmem:s31+$0x90] =	vst v18  }
0x10a: {  	v35 =	vmax.f32 v23, $0.0e+00;
	[tilespmem:s31+$0xFFFFFF10] =	vst v14;
	v18 =	vor.u32 v5, v8;
	v14 =	vmax.f32 v28, $0.0e+00;
	v25 =	vld.idx.msk [tilespmem:v21+s16+$0x0], $0xffff  }
0x10b: {  	v22 =	vor.u32 v6, v17;
	v28 =	vor.u32 v4, v8;
	v30 =	vld.idx.msk [tilespmem:v30+s16+$0x0], $0xffff;
	[tilespmem:s31+$0xFFFFFF90] =	vst v14;
	v21 =	vmax.f32 v26, $0.0e+00  }
0x10c: {  	v14 =	vor.u32 v7, v17;
	v26 =	vor.u32 v3, v11;
	v29 =	vld.idx.msk [tilespmem:v63+s16+$0x0], $0xffff;
	v24 =	vmax.f32 v19, $0.0e+00;
	[tilespmem:s30+$0x50] =	vst v21  }
0x10d: {  	s0 =	simm.s32 $0xC;
	[tilespmem:s29+$0xFFFFFF60] =	vst v35;
	v19 =	vor.u32 v7, v16;
	v21 =	vor.u32 v6, v9;
	v16 =	vmax.f32 v33, $0.0e+00;
	v23 =	vld.idx.msk [tilespmem:v34+s16+$0x0], $0xffff  }
.LBB2_5:
0x10e: {  	s1 =	sadd.s32 $0x1, s0  }
0x10f: {  	v33 =	vmov s0;
	p0 =	slt.u32 s0, $0x3C;
	v34 =	vor.u32 v3, v13;
	v27 =	vmax.f32 v27, $0.0e+00;
	v20 =	vld.idx.msk [tilespmem:v20+s16+$0x0], $0xffff;
	[tilespmem:s29+$0xFFFFFFF0] =	vst v16;
	v16 =	vmovc v12;
	v17 =	vmovc v13;
	s11 =	smov.u32 s0;
	s0 =	sadd.s32 $0x4, s0  }
0x110: {  	v31 =	vmax.f32 v31, $0.0e+00;
	v12 =	vand.u32 $0x7C, v33;
	v13 =	vmov s1;
	s1 =	sadd.s32 $0x2, s11;
	v28 =	vld.idx.msk [tilespmem:v28+s16+$0x0], $0xffff;
	[tilespmem:s30+$0xD0] =	vst v27  }
0x111: {  	v27 =	vbroadcast v12, $0x0;
	v33 =	vand.u32 $0x7D, v13;
	v12 =	vmov s1;
	s1 =	sadd.s32 $0x3, s11;
	[tilespmem:s31+$0x20] =	vst v31;
	v22 =	vld.idx.msk [tilespmem:v22+s16+$0x0], $0xffff  }
0x112: {  	v30 =	vmax.f32 v30, $0.0e+00;
	v12 =	vand.u32 $0x7E, v12;
	v13 =	vmov s1;
	v31 =	vld.idx.msk [tilespmem:v32+s16+$0x0], $0xffff;
	[tilespmem:s30+$0xFFFFFFD0] =	vst v24  }
0x113: {  	v24 =	vmax.f32 v25, $0.0e+00;
	v12 =	vbroadcast v12, $0x0;
	v13 =	vand.u32 $0x7F, v13;
	[tilespmem:s31+$0xFFFFFF20] =	vst v30;
	v21 =	vld.idx.msk [tilespmem:v21+s16+$0x0], $0xffff  }
0x114: {  	v25 =	vor.u32 v0, v27;
	v13 =	vbroadcast v13, $0x0;
	v30 =	vld.idx.msk [tilespmem:v15+s16+$0x0], $0xffff;
	[tilespmem:s31+$0xA0] =	vst v24;
	v15 =	vmax.f32 v23, $0.0e+00  }
0x115: {  	v24 =	vmax.f32 v29, $0.0e+00;
	v20 =	vmax.f32 v20, $0.0e+00;
	v23 =	vor.u32 v0, v12;
	v29 =	vld.idx.msk [tilespmem:v34+s16+$0x0], $0xffff;
	[tilespmem:s30+$0x60] =	vst v15  }
0x116: {  	v32 =	vbroadcast v33, $0x0;
	v33 =	vor.u32 v0, v13;
	[tilespmem:s31+$0xFFFFFFA0] =	vst v24;
	v24 =	vmax.f32 v28, $0.0e+00;
	v19 =	vld.idx.msk [tilespmem:v19+s16+$0x0], $0xffff  }
0x117: {  	v15 =	vor.u32 v3, v27;
	v22 =	vmax.f32 v22, $0.0e+00;
	v26 =	vld.idx.msk [tilespmem:v26+s16+$0x0], $0xffff;
	[tilespmem:s30+$0xFFFFFF40] =	vst v24  }
0x118: {  	v24 =	vor.u32 v0, v32;
	v28 =	vmax.f32 v31, $0.0e+00;
	v18 =	vld.idx.msk [tilespmem:v18+s16+$0x0], $0xffff;
	[tilespmem:s30+$0xE0] =	vst v22  }
0x119: {  	v22 =	vor.u32 v4, v16;
	v14 =	vld.idx.msk [tilespmem:v14+s16+$0x0], $0xffff;
	[tilespmem:s29+$0xFFFFFF70] =	vst v20;
	s29 =	smov.u32 s30;
	s30 =	smov.u32 s31  }
0x11a: {  	v20 =	vld.idx.msk [tilespmem:v23+s16+$0x0], $0xffff;
	v23 =	vmax.f32 v30, $0.0e+00;
	v30 =	vor.u32 v4, v11;
	[tilespmem:s31+$0x30] =	vst v28  }
0x11b: {  	v28 =	vor.u32 v1, v27;
	v31 =	vld.idx.msk [tilespmem:v33+s16+$0x0], $0xffff;
	[tilespmem:s31+$0xFFFFFF30] =	vst v23;
	v23 =	vmax.f32 v29, $0.0e+00;
	v29 =	vor.u32 v6, v8  }
0x11c: {  	v19 =	vmax.f32 v19, $0.0e+00;
	v25 =	vld.idx.msk [tilespmem:v25+s16+$0x0], $0xffff;
	[tilespmem:s31+$0xB0] =	vst v23;
	v23 =	vor.u32 v4, v17  }
0x11d: {  	v33 =	vor.u32 v1, v12;
	v26 =	vmax.f32 v26, $0.0e+00;
	v24 =	vld.idx.msk [tilespmem:v24+s16+$0x0], $0xffff;
	[tilespmem:s29+$0x70] =	vst v19  }
0x11e: {  	s31 =	sadd.s32 $0x200, s31;
	v19 =	vor.u32 v1, v13;
	v18 =	vmax.f32 v18, $0.0e+00;
	[tilespmem:s30+$0xFFFFFFB0] =	vst v26;
	v22 =	vld.idx.msk [tilespmem:v22+s16+$0x0], $0xffff  }
0x11f: {  	v14 =	vmax.f32 v14, $0.0e+00;
	v26 =	vld.idx.msk [tilespmem:v30+s16+$0x0], $0xffff;
	[tilespmem:s29+$0xFFFFFF50] =	vst v18  }
0x120: {  	v18 =	vor.u32 v1, v32;
	v20 =	vmax.f32 v20, $0.0e+00;
	v29 =	vld.idx.msk [tilespmem:v29+s16+$0x0], $0xffff;
	[tilespmem:s29+$0xF0] =	vst v14  }
0x121: {  	v30 =	vor.u32 v5, v16;
	v14 =	vmax.f32 v31, $0.0e+00;
	[tilespmem:s31+$0x0] =	vst v20;
	v23 =	vld.idx.msk [tilespmem:v23+s16+$0x0], $0xffff  }
0x122: {  	v20 =	vmax.f32 v25, $0.0e+00;
	v25 =	vld.idx.msk [tilespmem:v33+s16+$0x0], $0xffff;
	[tilespmem:s31+$0x80] =	vst v14;
	v14 =	vor.u32 v5, v11  }
0x123: {  	[tilespmem:s31+$0xFFFFFF00] =	vst v20;
	v20 =	vmax.f32 v24, $0.0e+00;
	v19 =	vld.idx.msk [tilespmem:v19+s16+$0x0], $0xffff;
	v24 =	vor.u32 v7, v9;
	v9 =	vmovc v11;
	v11 =	vmov v32  }
0x124: {  	v31 =	vor.u32 v5, v17;
	v22 =	vmax.f32 v22, $0.0e+00;
	v28 =	vld.idx.msk [tilespmem:v28+s16+$0x0], $0xffff;
	[tilespmem:s31+$0xFFFFFF80] =	vst v20;
	v20 =	vor.u32 v7, v8  }
0x125: {  	v32 =	vor.u32 v2, v12;
	v26 =	vmax.f32 v26, $0.0e+00;
	v8 =	vmovc v10;
	v10 =	vmov v27;
	v18 =	vld.idx.msk [tilespmem:v18+s16+$0x0], $0xffff;
	[tilespmem:s30+$0x40] =	vst v22  }
0x126: {  	v21 =	vmax.f32 v21, $0.0e+00;
	v22 =	vor.u32 v2, v13;
	v33 =	vmax.f32 v29, $0.0e+00;
	[tilespmem:s30+$0xFFFFFFC0] =	vst v26;
	v26 =	vld.idx.msk [tilespmem:v30+s16+$0x0], $0xffff  }
0x127: {  	v29 =	vor.u32 v2, v10;
	v34 =	vld.idx.msk [tilespmem:v14+s16+$0x0], $0xffff;
	v14 =	vmax.f32 v23, $0.0e+00;
	[tilespmem:s29+$0xFFFFFFE0] =	vst v21  }
0x128: {  	v21 =	vor.u32 v2, v11;
	v23 =	vmax.f32 v25, $0.0e+00;
	[tilespmem:s30+$0xC0] =	vst v14;
	v35 =	vld.idx.msk [tilespmem:v24+s16+$0x0], $0xffff  }
0x129: {  	v14 =	vmax.f32 v19, $0.0e+00;
	[tilespmem:s31+$0x10] =	vst v23;
	v23 =	vor.u32 v6, v16;
	v27 =	vld.idx.msk [tilespmem:v31+s16+$0x0], $0xffff  }
.Ltmp1:
0x12a: {  	v19 =	vmax.f32 v28, $0.0e+00;
	v31 =	vld.idx.msk [tilespmem:v32+s16+$0x0], $0xffff;
	[tilespmem:s31+$0x90] =	vst v14;
	(pc) =	sbr.rel @p0 .LBB2_5-.Ltmp1, $4  }
0x12b: {  	v28 =	vor.u32 v4, v8;
	v14 =	vmax.f32 v18, $0.0e+00;
	v18 =	vor.u32 v5, v8;
	[tilespmem:s31+$0xFFFFFF10] =	vst v19;
	v25 =	vld.idx.msk [tilespmem:v22+s16+$0x0], $0xffff  }
0x12c: {  	v19 =	vmax.f32 v26, $0.0e+00;
	v22 =	vor.u32 v6, v17;
	v30 =	vld.idx.msk [tilespmem:v29+s16+$0x0], $0xffff;
	[tilespmem:s31+$0xFFFFFF90] =	vst v14;
	v14 =	vor.u32 v7, v17  }
0x12d: {  	v32 =	vor.u32 v3, v12;
	v24 =	vmax.f32 v34, $0.0e+00;
	v29 =	vld.idx.msk [tilespmem:v21+s16+$0x0], $0xffff;
	[tilespmem:s30+$0x50] =	vst v19;
	v19 =	vor.u32 v7, v16  }
0x12e: {  	v26 =	vor.u32 v3, v11;
	v21 =	vor.u32 v6, v9;
	v16 =	vmax.f32 v35, $0.0e+00;
	v23 =	vld.idx.msk [tilespmem:v23+s16+$0x0], $0xffff;
	[tilespmem:s29+$0xFFFFFF60] =	vst v33  }
0x12f: {  	v17 =	vor.u32 v3, v13;
	_ =	sdelay $0x1  }
0x130: {  	v31 =	vmax.f32 v31, $0.0e+00  }
0x131: {  	[tilespmem:s31+$0x20] =	vst v31;
	v25 =	vmax.f32 v25, $0.0e+00  }
0x132: {  	v31 =	vld.idx.msk [tilespmem:v32+s16+$0x0], $0xffff;
	[tilespmem:s31+$0xA0] =	vst v25;
	v58 =	vmax.f32 v29, $0.0e+00  }
0x133: {  	v59 =	vmax.f32 v30, $0.0e+00;
	[tilespmem:s31+$0xFFFFFFA0] =	vst v58;
	v17 =	vld.idx.msk [tilespmem:v17+s16+$0x0], $0xffff  }
0x134: {  	v60 =	vor.u32 v4, v12;
	[tilespmem:s31+$0xFFFFFF20] =	vst v59;
	v25 =	vld.idx.msk [tilespmem:v26+s16+$0x0], $0xffff  }
0x135: {  	v61 =	vor.u32 v4, v13;
	v15 =	vld.idx.msk [tilespmem:v15+s16+$0x0], $0xffff  }
0x136: {  	[tilespmem:s29+$0xFFFFFFF0] =	vst v16;
	v62 =	vor.u32 v4, v11  }
0x137: {  	v33 =	vor.u32 v4, v10;
	[tilespmem:s30+$0xFFFFFFD0] =	vst v24;
	v63 =	vmax.f32 v31, $0.0e+00  }
0x138: {  	v28 =	vld.idx.msk [tilespmem:v28+s16+$0x0], $0xffff;
	[tilespmem:s31+$0x30] =	vst v63;
	v17 =	vmax.f32 v17, $0.0e+00  }
0x139: {  	v35 =	vld.idx.msk [tilespmem:v60+s16+$0x0], $0xffff;
	v34 =	vmax.f32 v25, $0.0e+00;
	[tilespmem:s31+$0xB0] =	vst v17  }
0x13a: {  	v15 =	vmax.f32 v15, $0.0e+00;
	[tilespmem:s31+$0xFFFFFFB0] =	vst v34;
	v36 =	vld.idx.msk [tilespmem:v61+s16+$0x0], $0xffff  }
0x13b: {  	v27 =	vmax.f32 v27, $0.0e+00;
	v38 =	vor.u32 v5, v12;
	[tilespmem:s31+$0xFFFFFF30] =	vst v15;
	v37 =	vld.idx.msk [tilespmem:v62+s16+$0x0], $0xffff  }
0x13c: {  	v39 =	vor.u32 v5, v13;
	[tilespmem:s30+$0xD0] =	vst v27;
	v23 =	vmax.f32 v23, $0.0e+00;
	v40 =	vld.idx.msk [tilespmem:v33+s16+$0x0], $0xffff  }
0x13d: {  	v42 =	vor.u32 v5, v11;
	v20 =	vld.idx.msk [tilespmem:v20+s16+$0x0], $0xffff;
	[tilespmem:s30+$0x60] =	vst v23;
	v41 =	vmax.f32 v28, $0.0e+00  }
0x13e: {  	v44 =	vor.u32 v5, v10;
	v21 =	vld.idx.msk [tilespmem:v21+s16+$0x0], $0xffff;
	[tilespmem:s30+$0xFFFFFF40] =	vst v41;
	v43 =	vmax.f32 v35, $0.0e+00  }
0x13f: {  	v18 =	vld.idx.msk [tilespmem:v18+s16+$0x0], $0xffff;
	[tilespmem:s31+$0x40] =	vst v43;
	v17 =	vmax.f32 v36, $0.0e+00  }
0x140: {  	v16 =	vld.idx.msk [tilespmem:v38+s16+$0x0], $0xffff;
	v15 =	vmax.f32 v37, $0.0e+00;
	[tilespmem:s31+$0xC0] =	vst v17  }
0x141: {  	v45 =	vor.u32 v6, v8;
	v47 =	vmax.f32 v40, $0.0e+00;
	[tilespmem:s31+$0xFFFFFFC0] =	vst v15;
	v46 =	vld.idx.msk [tilespmem:v39+s16+$0x0], $0xffff  }
0x142: {  	v49 =	vor.u32 v6, v12;
	v20 =	vmax.f32 v20, $0.0e+00;
	[tilespmem:s31+$0xFFFFFF40] =	vst v47;
	v48 =	vld.idx.msk [tilespmem:v42+s16+$0x0], $0xffff  }
0x143: {  	v50 =	vor.u32 v6, v13;
	[tilespmem:s29+$0xFFFFFF70] =	vst v20;
	v57 =	vmax.f32 v21, $0.0e+00;
	v23 =	vld.idx.msk [tilespmem:v44+s16+$0x0], $0xffff  }
0x144: {  	v51 =	vor.u32 v6, v11;
	v22 =	vld.idx.msk [tilespmem:v22+s16+$0x0], $0xffff;
	[tilespmem:s30+$0xFFFFFFE0] =	vst v57;
	v18 =	vmax.f32 v18, $0.0e+00  }
0x145: {  	v52 =	vor.u32 v6, v10;
	v19 =	vld.idx.msk [tilespmem:v19+s16+$0x0], $0xffff;
	[tilespmem:s30+$0xFFFFFF50] =	vst v18;
	v16 =	vmax.f32 v16, $0.0e+00  }
0x146: {  	v9 =	vor.u32 v7, v9;
	v17 =	vld.idx.msk [tilespmem:v45+s16+$0x0], $0xffff;
	[tilespmem:s31+$0x50] =	vst v16;
	v15 =	vmax.f32 v46, $0.0e+00  }
0x147: {  	v54 =	vld.idx.msk [tilespmem:v49+s16+$0x0], $0xffff;
	v53 =	vmax.f32 v48, $0.0e+00;
	[tilespmem:s31+$0xD0] =	vst v15  }
0x148: {  	v8 =	vor.u32 v7, v8;
	v55 =	vmax.f32 v23, $0.0e+00;
	[tilespmem:s31+$0xFFFFFFD0] =	vst v53;
	v15 =	vld.idx.msk [tilespmem:v50+s16+$0x0], $0xffff  }
0x149: {  	v56 =	vor.u32 v7, v12;
	v22 =	vmax.f32 v22, $0.0e+00;
	[tilespmem:s31+$0xFFFFFF50] =	vst v55;
	v20 =	vld.idx.msk [tilespmem:v51+s16+$0x0], $0xffff  }
0x14a: {  	v58 =	vor.u32 v7, v13;
	[tilespmem:s30+$0xE0] =	vst v22;
	v19 =	vmax.f32 v19, $0.0e+00;
	v18 =	vld.idx.msk [tilespmem:v52+s16+$0x0], $0xffff  }
0x14b: {  	v59 =	vor.u32 v7, v11;
	v9 =	vld.idx.msk [tilespmem:v9+s16+$0x0], $0xffff;
	[tilespmem:s30+$0x70] =	vst v19;
	v17 =	vmax.f32 v17, $0.0e+00  }
0x14c: {  	v14 =	vld.idx.msk [tilespmem:v14+s16+$0x0], $0xffff;
	v61 =	vor.u32 v7, v10;
	[tilespmem:s30+$0xFFFFFF60] =	vst v17;
	v60 =	vmax.f32 v54, $0.0e+00  }
0x14d: {  	v8 =	vld.idx.msk [tilespmem:v8+s16+$0x0], $0xffff;
	[tilespmem:s31+$0x60] =	vst v60;
	v15 =	vmax.f32 v15, $0.0e+00  }
0x14e: {  	v12 =	vld.idx.msk [tilespmem:v56+s16+$0x0], $0xffff;
	v62 =	vmax.f32 v20, $0.0e+00;
	[tilespmem:s31+$0xE0] =	vst v15  }
0x14f: {  	v63 =	vmax.f32 v18, $0.0e+00;
	[tilespmem:s31+$0xFFFFFFE0] =	vst v62;
	v13 =	vld.idx.msk [tilespmem:v58+s16+$0x0], $0xffff  }
0x150: {  	v9 =	vmax.f32 v9, $0.0e+00;
	[tilespmem:s31+$0xFFFFFF60] =	vst v63;
	v11 =	vld.idx.msk [tilespmem:v59+s16+$0x0], $0xffff  }
0x151: {  	v14 =	vmax.f32 v14, $0.0e+00;
	[tilespmem:s30+$0xFFFFFFF0] =	vst v9;
	v10 =	vld.idx.msk [tilespmem:v61+s16+$0x0], $0xffff  }
0x152: {  	[tilespmem:s30+$0xF0] =	vst v14;
	v8 =	vmax.f32 v8, $0.0e+00  }
0x153: {  	[tilespmem:s30+$0xFFFFFF70] =	vst v8;
	v8 =	vmax.f32 v12, $0.0e+00  }
0x154: {  	s25 =	sadd.s32 $0x1, s25;
	[tilespmem:s31+$0x70] =	vst v8;
	v8 =	vmax.f32 v13, $0.0e+00  }
0x155: {  	p0 =	sne.s32 s25, $0x19;
	[tilespmem:s31+$0xF0] =	vst v8;
	v8 =	vmax.f32 v11, $0.0e+00  }
.Ltmp2:
0x156: {  	[tilespmem:s31+$0xFFFFFFF0] =	vst v8;
	v8 =	vmax.f32 v10, $0.0e+00;
	(pc) =	sbr.rel @p0 .LBB2_2-.Ltmp2, $4  }
0x157: {  	s0 =	sadd.s32 @!p1 $0x180, s26;
	s1 =	simm.s32 @!p1 $0x80;
	s11 =	simm.s32 @!p1 $0x5C00;
	[tilespmem:s31+$0xFFFFFF70] =	vst v8  }
0x158: {  	[tilespmem:s11], [sflag:$0x2] =	stream.indirect.gather @!p1 [hbm4b:s5+s1], $0x80, s0, s1, $0xb8;
	[tilespmem:$0xDC00] =	vst v63  }
0x159: {  	s31 =	sadd.s32 s28, s8  }
0x15a: {  	[hbm4b:s31+s10] =	stream.strided.scatter [tilespmem:s21], [sflag:$0x4], $0x2000, s18, s10, $0x38;
	[tilespmem:$0xDC00] =	vst v63  }
0x15b: {  	s24 =	sadd.s32 $0x1, s24  }
0x15c: {  	_ =	swait.ge [sflag:s22], $0x2000;
	p0 =	sne.s32 s24, s9  }
.Ltmp3:
0x15d: {  	[sflag:s22] =	ssyncset.done $0x0;
	(pc) =	sbr.rel @p0 .LBB2_1-.Ltmp3, $4  }
0x15e: {  	[sflag:s22] =	ssyncadd.s32 $0xFFFFE000  }
0x15f: {  	_ =	swait.ge [sflag:s23], $0x2000  }
0x160: {  	[sflag:s23] =	ssyncset.done $0x0  }
0x161: {  	[sflag:s23] =	ssyncadd.s32 $0xFFFFE000  }
0x162: {  	_ =	sfence.sel $0x180000  }
0x163: {  	[bflag:$0x0] =	sbarrier.arrive $0xFFFF  }
0x164: {  	_ =	strace $0x90000047  }
0x165: {  	s0 =	stileid.u32;
	[bflag:$0x2] =	sbarrier.arrive $0xFFFF  }
0x166: {  	p0 =	sne.s32 s0, $0x0;
	s0 =	rddreg [dreg:$0x3]  }
0x167: {  	s0 =	sadd.s32 @!p0 $0x100000, s0  }
0x168: {  	[sflag:s0] =	ssyncadd.tile.s32 @!p0 $0x1;
	_ =	shalt  }
.Lfunc_end2:
_tile_overlayer_lowered:
.L_overlay_start_2:
0x169: {  	(tag) =	ssettag $0x2  }
0x16a: {  	s0 =	rddreg [dreg:$0x0];
	s2 =	stileid.u32  }
0x16b: {  	s1 =	rddreg [dreg:$0x1];
	p0 =	sne.s32 s2, $0x0  }
0x16c: {  	s3 =	rddreg [dreg:$0x2];
	[bflag:$0x3] =	sbarrier.arrive $0xFFFF;
	s2 =	simm.s32 @!p0 $0x1C05  }
0x16d: {  	[timem:s3], [sflag:s2] =	dma.local @!p0 [hbm:s0], s1  }
0x16e: {  	s0 =	simm.s32 @!p0 $0x5  }
0x16f: {  	_ =	swait.ge @!p0 [sflag:s0], s1  }
0x170: {  	s1 =	ssub.s32 @!p0 $0x0, s1;
	[sflag:s0] =	ssyncset.done @!p0 $0x0  }
0x171: {  	[sflag:s0] =	ssyncadd.s32 @!p0 s1  }
0x172: {  	[bflag:$0x3] =	sbarrier.arrive $0xFFFF  }
0x173: {  	_ =	shalt  }

</sc_bundles>
